<compile_context>
chip_gen: v7x
topology: tpu7x:2x2x1
jax: 0.10.2.dev20260603
libtpu: 0.0.44.dev20260713+nightly
codegen_flags: <defaults>
</compile_context>

<pallas_src>
import functools

import jax
import jax.numpy as jnp
from jax import lax
from jax.experimental import pallas as pl
from jax.experimental.pallas import tpu as pltpu
from jax.experimental.pallas import tpu_sc as plsc

_LANES = 16


def _sc_gather_pos(ar_flat, table):
    n_rows_out = 32
    width = table.shape[1]
    num_tiles = 4
    zero_row = table.shape[0] - 1

    mesh = plsc.VectorSubcoreMesh(core_axis_name="c", subcore_axis_name="s")

    @functools.partial(
        pl.kernel,
        mesh=mesh,
        compiler_params=pltpu.CompilerParams(needs_layout_passes=False),
        out_type=jax.ShapeDtypeStruct((n_rows_out, width), jnp.float32),
        scratch_types=[
            pltpu.VMEM((_LANES,), jnp.int32),
            pltpu.VMEM((1,), jnp.int32),
            pltpu.VMEM((1, width), jnp.float32),
            pltpu.SemaphoreType.DMA,
        ],
    )
    def sc_kernel(ar_hbm, table_hbm, out_hbm, ar_v, idx_v, row_v, sem):
        wid = lax.axis_index("s") * 2 + lax.axis_index("c")
        pltpu.sync_copy(ar_hbm, ar_v)
        lane = lax.iota(jnp.int32, _LANES)
        k = lane + (wid // _LANES) * _LANES
        b2 = (k // num_tiles) * 2
        w = plsc.load_gather(ar_v, [b2])
        h = plsc.load_gather(ar_v, [b2 + 1])
        h_safe = jnp.maximum(h, 1)
        t = k % num_tiles
        idx = jnp.where(
            t < w * h,
            (t // h_safe) * num_tiles + (t % h_safe),
            zero_row,
        )
        plsc.store_scatter(idx_v, [lane * 0], idx, mask=lane == (wid % _LANES))
        pltpu.async_copy(table_hbm.at[idx_v], row_v, sem).wait()
        pltpu.sync_copy(row_v, out_hbm.at[pl.ds(wid, 1)])

    return sc_kernel(ar_flat, table)


def _tc_add(x, pos):
    B, T, N, D = x.shape
    NB = 128
    CPS = N // NB
    TAIL = N - CPS * NB
    NCHUNK = B * T * CPS
    NBUF = 32

    def body(x_hbm, pos_v, out_hbm, in_buf, out_buf, tail_in, tail_out,
             in_sems, out_sems, tail_in_sem, tail_out_sem):
        def in_copy(i, s):
            bt = i // CPS
            r = (i % CPS) * NB
            return pltpu.make_async_copy(
                x_hbm.at[bt // T, bt % T, pl.ds(r, NB), :],
                in_buf.at[s],
                in_sems.at[s],
            )

        def out_copy(i, s):
            bt = i // CPS
            r = (i % CPS) * NB
            return pltpu.make_async_copy(
                out_buf.at[s],
                out_hbm.at[bt // T, bt % T, pl.ds(r, NB), :],
                out_sems.at[s],
            )

        tail_in_cp = pltpu.make_async_copy(
            x_hbm.at[:, :, pl.ds(CPS * NB, TAIL), :], tail_in, tail_in_sem
        )

        tail_in_cp.start()
        for s in range(NBUF):
            in_copy(s, s).start()

        def step(i, carry):
            s = i % NBUF
            bt = i // CPS
            in_copy(i, s).wait()

            @pl.when(i >= NBUF)
            def _():
                out_copy(i - NBUF, s).wait()

            out_buf[s] = in_buf[s] + pos_v[bt // T, bt % T]
            out_copy(i, s).start()

            @pl.when(i + NBUF < NCHUNK)
            def _():
                in_copy(i + NBUF, s).start()

            return carry

        lax.fori_loop(0, NCHUNK, step, 0)

        tail_in_cp.wait()
        tail_out[...] = tail_in[...] + pos_v[...]
        tail_cp = pltpu.make_async_copy(
            tail_out, out_hbm.at[:, :, pl.ds(CPS * NB, TAIL), :], tail_out_sem
        )
        tail_cp.start()

        for s in range(NBUF):
            out_copy(NCHUNK - NBUF + s, s).wait()
        tail_cp.wait()

    return pl.pallas_call(
        body,
        in_specs=[
            pl.BlockSpec(memory_space=pl.ANY),
            pl.BlockSpec(memory_space=pltpu.MemorySpace.VMEM),
        ],
        out_specs=pl.BlockSpec(memory_space=pl.ANY),
        out_shape=jax.ShapeDtypeStruct(x.shape, x.dtype),
        scratch_shapes=[
            pltpu.VMEM((NBUF, NB, D), x.dtype),
            pltpu.VMEM((NBUF, NB, D), x.dtype),
            pltpu.VMEM((B, T, TAIL, D), x.dtype),
            pltpu.VMEM((B, T, TAIL, D), x.dtype),
            pltpu.SemaphoreType.DMA((NBUF,)),
            pltpu.SemaphoreType.DMA((NBUF,)),
            pltpu.SemaphoreType.DMA,
            pltpu.SemaphoreType.DMA,
        ],
        compiler_params=pltpu.CompilerParams(
            vmem_limit_bytes=56 * 1024 * 1024,
        ),
    )(x, pos.reshape(B, T, 1, D))


def kernel(x, ar, embedding):
    B, T, N, D = x.shape
    nt = embedding.shape[0]
    ar_flat = ar.astype(jnp.int32).reshape(-1)
    table = jnp.concatenate(
        [embedding.reshape(nt * nt, D), jnp.zeros((1, D), embedding.dtype)],
        axis=0,
    )
    pos = _sc_gather_pos(ar_flat, table)
    return _tc_add(x, pos)

# --- scband reference (transcript-rebuilt; emitter-appended) ---
"""Pipeline reference for scband-tile-position-embedding-128849019334 (READ-ONLY COPY).

The authoritative reference and input builder live on the scoring server;
editing this copy changes nothing except your own understanding.
"""

import jax, jax.numpy as jnp
import numpy as np
import math

BATCH = 8
NUM_TILES = 4
NTOK = 1025
WIDTH = 1280

def setup_inputs(seed: int = 0) -> dict:
    key = jax.random.key(seed)
    k1, k2, k3 = jax.random.split(key, 3)
    x = jax.random.normal(k1, (BATCH, NUM_TILES, NTOK, WIDTH), dtype=jnp.float32)
    ar = jax.random.randint(k2, (BATCH, 2), 0, 3, dtype=jnp.int32).astype(jnp.int64)
    embedding = jax.random.normal(k3, (NUM_TILES, NUM_TILES, 1, WIDTH), dtype=jnp.float32) / math.sqrt(WIDTH)
    return {"x": x, "ar": ar, "embedding": embedding}

def reference(x, ar, embedding):
    # Faithful translation of TilePositionEmbedding.forward (gated=False, num_tiles=None)
    B = x.shape[0]
    num_tiles = embedding.shape[0]
    width = embedding.shape[-1]
    w = ar[:, 0]
    h = ar[:, 1]
    n = w * h
    h_safe = jnp.maximum(h, 1)
    p = jnp.arange(num_tiles, dtype=h.dtype)
    row = p[None, :] // h_safe[:, None]
    col = p[None, :] % h_safe[:, None]
    emb = embedding[row, col]
    mask = p[None, :] < n[:, None]
    out_pos_embed = jnp.where(
        mask[:, :, None, None],
        emb,
        jnp.zeros((), dtype=x.dtype),
    ).astype(x.dtype)
    return x + out_pos_embed

if __name__ == "__main__":
    import jax
    _d = setup_inputs()
    print(jax.jit(kernel)(*tuple(_d.values())))

</pallas_src>

<mosaic_0001>
#map = affine_map<(d0, d1) -> (0)>
#map1 = affine_map<(d0, d1) -> (0, 0)>
module attributes {stable_mosaic.version = 14 : i64} {
  func.func @sc_kernel(%arg0: i32, %arg1: i32, %arg2: memref<16xi32, #tpu.memory_space<hbm>>, %arg3: memref<17x1280xf32, #tpu.memory_space<hbm>>, %arg4: memref<32x1280xf32, #tpu.memory_space<hbm>>, %arg5: memref<16xi32, #tpu.memory_space<vmem>>, %arg6: memref<1xi32, #tpu.memory_space<vmem>>, %arg7: memref<1x1280xf32, #tpu.memory_space<vmem>>, %arg8: memref<!tpu.dma_semaphore, #tpu.memory_space<semaphore_mem>>) attributes {dimension_semantics = [#tpu.dimension_semantics<core_parallel>, #tpu.dimension_semantics<subcore_parallel>], iteration_bounds = array<i64: 2, 16>, scalar_prefetch = 0 : i64, scratch_operands = 4 : i64, tpu.core_type = #tpu.core_type<sc_vector_subcore>, window_params = [{transform_indices = #map}, {transform_indices = #map1}, {transform_indices = #map1}]} {
    %mul3A = arith.constant 2 : i32
    %mul3A_0 = arith.muli %arg1, %mul3A : i32
    %add3A = arith.addi %mul3A_0, %arg0 : i32
    "tpu.region"() ({
      %run_scoped3A = tpu.sem_alloc : memref<!tpu.dma_semaphore, #tpu.memory_space<semaphore_mem>>
      tpu.enqueue_dma source(%arg2 : memref<16xi32, #tpu.memory_space<hbm>>) target(%arg5 : memref<16xi32, #tpu.memory_space<vmem>>) target_semaphore(%run_scoped3A : memref<!tpu.dma_semaphore, #tpu.memory_space<semaphore_mem>>)
      tpu.wait_dma2 semaphore(%run_scoped3A : memref<!tpu.dma_semaphore, #tpu.memory_space<semaphore_mem>>) src(%arg2 : memref<16xi32, #tpu.memory_space<hbm>>) dst(%arg5 : memref<16xi32, #tpu.memory_space<vmem>>)
      tpu.yield
    }) : () -> ()
    %iota3A = tpu.iota {dimensions = array<i32: 0>} : vector<16xi32>
    %jit3A = arith.constant 16 : i32
    %div3A = arith.divsi %add3A, %jit3A : i32
    %sign3A = arith.constant 0 : i32
    %sign3A_1 = arith.cmpi sgt, %add3A, %sign3A : i32
    %sign3A_2 = arith.extui %sign3A_1 : i1 to i32
    %sign3A_3 = arith.constant 0 : i32
    %sign3A_4 = arith.cmpi slt, %add3A, %sign3A_3 : i32
    %sign3A_5 = arith.extui %sign3A_4 : i1 to i32
    %sign3A_6 = arith.subi %sign3A_2, %sign3A_5 : i32
    %sign3A_7 = arith.constant 0 : i32
    %sign3A_8 = arith.cmpi sgt, %jit3A, %sign3A_7 : i32
    %sign3A_9 = arith.extui %sign3A_8 : i1 to i32
    %sign3A_10 = arith.constant 0 : i32
    %sign3A_11 = arith.cmpi slt, %jit3A, %sign3A_10 : i32
    %sign3A_12 = arith.extui %sign3A_11 : i1 to i32
    %sign3A_13 = arith.subi %sign3A_9, %sign3A_12 : i32
    %ne3A = arith.cmpi ne, %sign3A_6, %sign3A_13 : i32
    %rem3A = arith.remsi %add3A, %jit3A : i32
    %ne3A_14 = arith.constant 0 : i32
    %ne3A_15 = arith.cmpi ne, %rem3A, %ne3A_14 : i32
    %and3A = arith.andi %ne3A, %ne3A_15 : i1
    %sub3A = arith.constant 1 : i32
    %sub3A_16 = arith.subi %div3A, %sub3A : i32
    %select_n3A = arith.select %and3A, %sub3A_16, %div3A : i32
    %mul3A_17 = arith.constant 16 : i32
    %mul3A_18 = arith.muli %select_n3A, %mul3A_17 : i32
    %add3A_19 = vector.broadcast %mul3A_18 : i32 to vector<16xi32>
    %add3A_20 = arith.addi %iota3A, %add3A_19 : vector<16xi32>
    %jit3A_21 = arith.constant 4 : i32
    %div3A_22 = vector.broadcast %jit3A_21 : i32 to vector<16xi32>
    %div3A_23 = arith.divsi %add3A_20, %div3A_22 : vector<16xi32>
    %sign3A_24 = arith.constant 0 : i32
    %sign3A_25 = vector.broadcast %sign3A_24 : i32 to vector<16xi32>
    %sign3A_26 = arith.cmpi sgt, %add3A_20, %sign3A_25 : vector<16xi32>
    %sign3A_27 = arith.extui %sign3A_26 : vector<16xi1> to vector<16xi32>
    %sign3A_28 = arith.constant 0 : i32
    %sign3A_29 = vector.broadcast %sign3A_28 : i32 to vector<16xi32>
    %sign3A_30 = arith.cmpi slt, %add3A_20, %sign3A_29 : vector<16xi32>
    %sign3A_31 = arith.extui %sign3A_30 : vector<16xi1> to vector<16xi32>
    %sign3A_32 = arith.subi %sign3A_27, %sign3A_31 : vector<16xi32>
    %sign3A_33 = arith.constant 0 : i32
    %sign3A_34 = arith.cmpi sgt, %jit3A_21, %sign3A_33 : i32
    %sign3A_35 = arith.extui %sign3A_34 : i1 to i32
    %sign3A_36 = arith.constant 0 : i32
    %sign3A_37 = arith.cmpi slt, %jit3A_21, %sign3A_36 : i32
    %sign3A_38 = arith.extui %sign3A_37 : i1 to i32
    %sign3A_39 = arith.subi %sign3A_35, %sign3A_38 : i32
    %ne3A_40 = vector.broadcast %sign3A_39 : i32 to vector<16xi32>
    %ne3A_41 = arith.cmpi ne, %sign3A_32, %ne3A_40 : vector<16xi32>
    %rem3A_42 = vector.broadcast %jit3A_21 : i32 to vector<16xi32>
    %rem3A_43 = arith.remsi %add3A_20, %rem3A_42 : vector<16xi32>
    %ne3A_44 = arith.constant 0 : i32
    %ne3A_45 = vector.broadcast %ne3A_44 : i32 to vector<16xi32>
    %ne3A_46 = arith.cmpi ne, %rem3A_43, %ne3A_45 : vector<16xi32>
    %and3A_47 = arith.andi %ne3A_41, %ne3A_46 : vector<16xi1>
    %sub3A_48 = arith.constant 1 : i32
    %sub3A_49 = vector.broadcast %sub3A_48 : i32 to vector<16xi32>
    %sub3A_50 = arith.subi %div3A_23, %sub3A_49 : vector<16xi32>
    %select_n3A_51 = arith.select %and3A_47, %sub3A_50, %div3A_23 : vector<16xi1>, vector<16xi32>
    %mul3A_52 = arith.constant 2 : i32
    %mul3A_53 = vector.broadcast %mul3A_52 : i32 to vector<16xi32>
    %mul3A_54 = arith.muli %select_n3A_51, %mul3A_53 : vector<16xi32>
    %gather3A = tpu.vector_load_idx %arg5[%mul3A_54] : memref<16xi32, #tpu.memory_space<vmem>>[vector<16xi32>], vector<16xi32>,
    %add3A_55 = arith.constant 1 : i32
    %add3A_56 = vector.broadcast %add3A_55 : i32 to vector<16xi32>
    %add3A_57 = arith.addi %mul3A_54, %add3A_56 : vector<16xi32>
    %gather3A_58 = tpu.vector_load_idx %arg5[%add3A_57] : memref<16xi32, #tpu.memory_space<vmem>>[vector<16xi32>], vector<16xi32>,
    %max3A = arith.constant 1 : i32
    %max3A_59 = vector.broadcast %max3A : i32 to vector<16xi32>
    %max3A_60 = arith.maxsi %gather3A_58, %max3A_59 : vector<16xi32>
    %jit3A_61 = arith.constant 4 : i32
    %eq3A = arith.constant 0 : i32
    %eq3A_62 = arith.cmpi eq, %jit3A_61, %eq3A : i32
    %jit3A_63 = arith.constant 1 : i32
    %select_n3A_64 = arith.select %eq3A_62, %jit3A_63, %jit3A_61 : i32
    %rem3A_65 = vector.broadcast %select_n3A_64 : i32 to vector<16xi32>
    %rem3A_66 = arith.remsi %add3A_20, %rem3A_65 : vector<16xi32>
    %ne3A_67 = arith.constant 0 : i32
    %ne3A_68 = vector.broadcast %ne3A_67 : i32 to vector<16xi32>
    %ne3A_69 = arith.cmpi ne, %rem3A_66, %ne3A_68 : vector<16xi32>
    %lt3A = arith.constant 0 : i32
    %lt3A_70 = vector.broadcast %lt3A : i32 to vector<16xi32>
    %lt3A_71 = arith.cmpi slt, %rem3A_66, %lt3A_70 : vector<16xi32>
    %lt3A_72 = arith.constant 0 : i32
    %lt3A_73 = arith.cmpi slt, %select_n3A_64, %lt3A_72 : i32
    %ne3A_74 = vector.broadcast %lt3A_73 : i1 to vector<16xi1>
    %ne3A_75 = vector.broadcast %ne3A_74 : vector<16xi1> to vector<16xi1>
    %ne3A_76 = arith.xori %lt3A_71, %ne3A_75 : vector<16xi1>
    %and3A_77 = arith.andi %ne3A_76, %ne3A_69 : vector<16xi1>
    %add3A_78 = vector.broadcast %select_n3A_64 : i32 to vector<16xi32>
    %add3A_79 = arith.addi %rem3A_66, %add3A_78 : vector<16xi32>
    %select_n3A_80 = arith.select %and3A_77, %add3A_79, %rem3A_66 : vector<16xi1>, vector<16xi32>
    %mul3A_81 = arith.muli %gather3A, %gather3A_58 : vector<16xi32>
    %lt3A_82 = arith.cmpi slt, %select_n3A_80, %mul3A_81 : vector<16xi32>
    %div3A_83 = arith.divsi %select_n3A_80, %max3A_60 : vector<16xi32>
    %sign3A_84 = arith.constant 0 : i32
    %sign3A_85 = vector.broadcast %sign3A_84 : i32 to vector<16xi32>
    %sign3A_86 = arith.cmpi sgt, %select_n3A_80, %sign3A_85 : vector<16xi32>
    %sign3A_87 = arith.extui %sign3A_86 : vector<16xi1> to vector<16xi32>
    %sign3A_88 = arith.constant 0 : i32
    %sign3A_89 = vector.broadcast %sign3A_88 : i32 to vector<16xi32>
    %sign3A_90 = arith.cmpi slt, %select_n3A_80, %sign3A_89 : vector<16xi32>
    %sign3A_91 = arith.extui %sign3A_90 : vector<16xi1> to vector<16xi32>
    %sign3A_92 = arith.subi %sign3A_87, %sign3A_91 : vector<16xi32>
    %sign3A_93 = arith.constant 0 : i32
    %sign3A_94 = vector.broadcast %sign3A_93 : i32 to vector<16xi32>
    %sign3A_95 = arith.cmpi sgt, %max3A_60, %sign3A_94 : vector<16xi32>
    %sign3A_96 = arith.extui %sign3A_95 : vector<16xi1> to vector<16xi32>
    %sign3A_97 = arith.constant 0 : i32
    %sign3A_98 = vector.broadcast %sign3A_97 : i32 to vector<16xi32>
    %sign3A_99 = arith.cmpi slt, %max3A_60, %sign3A_98 : vector<16xi32>
    %sign3A_100 = arith.extui %sign3A_99 : vector<16xi1> to vector<16xi32>
    %sign3A_101 = arith.subi %sign3A_96, %sign3A_100 : vector<16xi32>
    %ne3A_102 = arith.cmpi ne, %sign3A_92, %sign3A_101 : vector<16xi32>
    %rem3A_103 = arith.remsi %select_n3A_80, %max3A_60 : vector<16xi32>
    %ne3A_104 = arith.constant 0 : i32
    %ne3A_105 = vector.broadcast %ne3A_104 : i32 to vector<16xi32>
    %ne3A_106 = arith.cmpi ne, %rem3A_103, %ne3A_105 : vector<16xi32>
    %and3A_107 = arith.andi %ne3A_102, %ne3A_106 : vector<16xi1>
    %sub3A_108 = arith.constant 1 : i32
    %sub3A_109 = vector.broadcast %sub3A_108 : i32 to vector<16xi32>
    %sub3A_110 = arith.subi %div3A_83, %sub3A_109 : vector<16xi32>
    %select_n3A_111 = arith.select %and3A_107, %sub3A_110, %div3A_83 : vector<16xi1>, vector<16xi32>
    %mul3A_112 = arith.constant 4 : i32
    %mul3A_113 = vector.broadcast %mul3A_112 : i32 to vector<16xi32>
    %mul3A_114 = arith.muli %select_n3A_111, %mul3A_113 : vector<16xi32>
    %eq3A_115 = arith.constant 0 : i32
    %eq3A_116 = vector.broadcast %eq3A_115 : i32 to vector<16xi32>
    %eq3A_117 = arith.cmpi eq, %max3A_60, %eq3A_116 : vector<16xi32>
    %broadcast_in_dim3A = arith.constant 1 : i32
    %broadcast_in_dim3A_118 = vector.broadcast %broadcast_in_dim3A : i32 to vector<16xi32>
    %select_n3A_119 = arith.select %eq3A_117, %broadcast_in_dim3A_118, %max3A_60 : vector<16xi1>, vector<16xi32>
    %rem3A_120 = arith.remsi %select_n3A_80, %select_n3A_119 : vector<16xi32>
    %ne3A_121 = arith.constant 0 : i32
    %ne3A_122 = vector.broadcast %ne3A_121 : i32 to vector<16xi32>
    %ne3A_123 = arith.cmpi ne, %rem3A_120, %ne3A_122 : vector<16xi32>
    %lt3A_124 = arith.constant 0 : i32
    %lt3A_125 = vector.broadcast %lt3A_124 : i32 to vector<16xi32>
    %lt3A_126 = arith.cmpi slt, %rem3A_120, %lt3A_125 : vector<16xi32>
    %lt3A_127 = arith.constant 0 : i32
    %lt3A_128 = vector.broadcast %lt3A_127 : i32 to vector<16xi32>
    %lt3A_129 = arith.cmpi slt, %select_n3A_119, %lt3A_128 : vector<16xi32>
    %ne3A_130 = arith.xori %lt3A_126, %lt3A_129 : vector<16xi1>
    %and3A_131 = arith.andi %ne3A_130, %ne3A_123 : vector<16xi1>
    %add3A_132 = arith.addi %rem3A_120, %select_n3A_119 : vector<16xi32>
    %select_n3A_133 = arith.select %and3A_131, %add3A_132, %rem3A_120 : vector<16xi1>, vector<16xi32>
    %add3A_134 = arith.addi %mul3A_114, %select_n3A_133 : vector<16xi32>
    %jit3A_135 = arith.constant 16 : i32
    %broadcast_in_dim3A_136 = vector.broadcast %jit3A_135 : i32 to vector<16xi32>
    %select_n3A_137 = arith.select %lt3A_82, %add3A_134, %broadcast_in_dim3A_136 : vector<16xi1>, vector<16xi32>
    %mul3A_138 = arith.constant 0 : i32
    %mul3A_139 = vector.broadcast %mul3A_138 : i32 to vector<16xi32>
    %mul3A_140 = arith.muli %iota3A, %mul3A_139 : vector<16xi32>
    %jit3A_141 = arith.constant 16 : i32
    %eq3A_142 = arith.constant 0 : i32
    %eq3A_143 = arith.cmpi eq, %jit3A_141, %eq3A_142 : i32
    %jit3A_144 = arith.constant 1 : i32
    %select_n3A_145 = arith.select %eq3A_143, %jit3A_144, %jit3A_141 : i32
    %rem3A_146 = arith.remsi %add3A, %select_n3A_145 : i32
    %ne3A_147 = arith.constant 0 : i32
    %ne3A_148 = arith.cmpi ne, %rem3A_146, %ne3A_147 : i32
    %lt3A_149 = arith.constant 0 : i32
    %lt3A_150 = arith.cmpi slt, %rem3A_146, %lt3A_149 : i32
    %lt3A_151 = arith.constant 0 : i32
    %lt3A_152 = arith.cmpi slt, %select_n3A_145, %lt3A_151 : i32
    %ne3A_153 = arith.xori %lt3A_150, %lt3A_152 : i1
    %and3A_154 = arith.andi %ne3A_153, %ne3A_148 : i1
    %add3A_155 = arith.addi %rem3A_146, %select_n3A_145 : i32
    %select_n3A_156 = arith.select %and3A_154, %add3A_155, %rem3A_146 : i32
    %eq3A_157 = vector.broadcast %select_n3A_156 : i32 to vector<16xi32>
    %eq3A_158 = arith.cmpi eq, %iota3A, %eq3A_157 : vector<16xi32>
    tpu.vector_store_idx %arg6[%mul3A_140], %select_n3A_137 masked %eq3A_158 : memref<1xi32, #tpu.memory_space<vmem>>[vector<16xi32>], vector<16xi32>, vector<16xi1>
    %dma_start3A = arith.constant 0 : i32
    %dma_start3A_159 = arith.constant 0 : i32
    %dma_start3A_160 = tpu.memref_slice %arg3[%dma_start3A, %dma_start3A_159] : memref<17x1280xf32, #tpu.memory_space<hbm>> -> memref<17x1280xf32, #tpu.memory_space<hbm>>
    tpu.enqueue_indirect_dma source(%dma_start3A_160 : memref<17x1280xf32, #tpu.memory_space<hbm>>) target(%arg7 : memref<1x1280xf32, #tpu.memory_space<vmem>>) offsets(%arg6 : memref<1xi32, #tpu.memory_space<vmem>>) semaphore(%arg8 : memref<!tpu.dma_semaphore, #tpu.memory_space<semaphore_mem>>)
    %dma_wait3A = arith.constant 0 : i32
    %dma_wait3A_161 = arith.constant 0 : i32
    %dma_wait3A_162 = tpu.memref_slice %arg3[%dma_wait3A, %dma_wait3A_161] : memref<17x1280xf32, #tpu.memory_space<hbm>> -> memref<17x1280xf32, #tpu.memory_space<hbm>>
    tpu.wait_indirect_dma semaphore(%arg8 : memref<!tpu.dma_semaphore, #tpu.memory_space<semaphore_mem>>) src(%dma_wait3A_162 : memref<17x1280xf32, #tpu.memory_space<hbm>>) dst(%arg7 : memref<1x1280xf32, #tpu.memory_space<vmem>>)
    "tpu.region"() ({
      %run_scoped3A = tpu.sem_alloc : memref<!tpu.dma_semaphore, #tpu.memory_space<semaphore_mem>>
      %dma_start3A_163 = arith.constant 0 : i32
      %dma_start3A_164 = tpu.memref_slice %arg4[%add3A, %dma_start3A_163] : memref<32x1280xf32, #tpu.memory_space<hbm>> -> memref<1x1280xf32, #tpu.memory_space<hbm>>
      %dma_start3A_165 = arith.constant 0 : i32
      %dma_start3A_166 = tpu.memref_slice %arg4[%add3A, %dma_start3A_165] : memref<32x1280xf32, #tpu.memory_space<hbm>> -> memref<1x1280xf32, #tpu.memory_space<hbm>>
      tpu.enqueue_dma source(%arg7 : memref<1x1280xf32, #tpu.memory_space<vmem>>) target(%dma_start3A_166 : memref<1x1280xf32, #tpu.memory_space<hbm>>) target_semaphore(%run_scoped3A : memref<!tpu.dma_semaphore, #tpu.memory_space<semaphore_mem>>)
      %dma_wait3A_167 = arith.constant 0 : i32
      %dma_wait3A_168 = tpu.memref_slice %arg4[%add3A, %dma_wait3A_167] : memref<32x1280xf32, #tpu.memory_space<hbm>> -> memref<1x1280xf32, #tpu.memory_space<hbm>>
      %dma_wait3A_169 = arith.constant 0 : i32
      %dma_wait3A_170 = tpu.memref_slice %arg4[%add3A, %dma_wait3A_169] : memref<32x1280xf32, #tpu.memory_space<hbm>> -> memref<1x1280xf32, #tpu.memory_space<hbm>>
      tpu.wait_dma2 semaphore(%run_scoped3A : memref<!tpu.dma_semaphore, #tpu.memory_space<semaphore_mem>>) src(%arg7 : memref<1x1280xf32, #tpu.memory_space<vmem>>) dst(%dma_wait3A_170 : memref<1x1280xf32, #tpu.memory_space<hbm>>)
      tpu.yield
    }) : () -> ()
    return
  }
}

module attributes {stable_mosaic.version = 14 : i64} {
  func.func @body(%arg0: memref<8x4x1025x1280xf32, #tpu.memory_space<any>>, %arg1: memref<8x4x1x1280xf32, #tpu.memory_space<vmem>>, %arg2: memref<8x4x1025x1280xf32, #tpu.memory_space<any>>, %arg3: memref<32x128x1280xf32, #tpu.memory_space<vmem>>, %arg4: memref<32x128x1280xf32, #tpu.memory_space<vmem>>, %arg5: memref<8x4x1x1280xf32, #tpu.memory_space<vmem>>, %arg6: memref<8x4x1x1280xf32, #tpu.memory_space<vmem>>, %arg7: memref<32x!tpu.dma_semaphore, #tpu.memory_space<semaphore_mem>>, %arg8: memref<32x!tpu.dma_semaphore, #tpu.memory_space<semaphore_mem>>, %arg9: memref<!tpu.dma_semaphore, #tpu.memory_space<semaphore_mem>>, %arg10: memref<!tpu.dma_semaphore, #tpu.memory_space<semaphore_mem>>) attributes {dimension_semantics = [], scalar_prefetch = 0 : i64, scratch_operands = 8 : i64, tpu.core_type = #tpu.core_type<tc>} {
    %dma_start3A = arith.constant 0 : i32
    %dma_start3A_0 = arith.constant 0 : i32
    %dma_start3A_1 = arith.constant 1024 : i32
    %dma_start3A_2 = arith.constant 0 : i32
    %dma_start3A_3 = tpu.memref_slice %arg0[%dma_start3A, %dma_start3A_0, %dma_start3A_1, %dma_start3A_2] : memref<8x4x1025x1280xf32, #tpu.memory_space<any>> -> memref<8x4x1x1280xf32, #tpu.memory_space<any>>
    tpu.enqueue_dma source(%dma_start3A_3 : memref<8x4x1x1280xf32, #tpu.memory_space<any>>) target(%arg5 : memref<8x4x1x1280xf32, #tpu.memory_space<vmem>>) target_semaphore(%arg9 : memref<!tpu.dma_semaphore, #tpu.memory_space<semaphore_mem>>)
    %dma_start3A_4 = arith.constant 0 : i32
    %dma_start3A_5 = arith.constant 0 : i32
    %dma_start3A_6 = arith.constant 0 : i32
    %dma_start3A_7 = arith.constant 0 : i32
    %dma_start3A_8 = tpu.memref_slice %arg7[%dma_start3A_7] : memref<32x!tpu.dma_semaphore, #tpu.memory_space<semaphore_mem>> -> memref<1x!tpu.dma_semaphore, #tpu.memory_space<semaphore_mem>>
    %dma_start3A_9 = tpu.memref_squeeze %dma_start3A_8 : memref<1x!tpu.dma_semaphore, #tpu.memory_space<semaphore_mem>> -> memref<!tpu.dma_semaphore, #tpu.memory_space<semaphore_mem>>
    %dma_start3A_10 = arith.constant 0 : i32
    %dma_start3A_11 = arith.constant 0 : i32
    %dma_start3A_12 = tpu.memref_slice %arg3[%dma_start3A_6, %dma_start3A_10, %dma_start3A_11] : memref<32x128x1280xf32, #tpu.memory_space<vmem>> -> memref<1x128x1280xf32, #tpu.memory_space<vmem>>
    %dma_start3A_13 = tpu.memref_squeeze %dma_start3A_12 : memref<1x128x1280xf32, #tpu.memory_space<vmem>> -> memref<128x1280xf32, #tpu.memory_space<vmem>>
    %dma_start3A_14 = arith.constant 0 : i32
    %dma_start3A_15 = arith.constant 0 : i32
    %dma_start3A_16 = tpu.memref_slice %arg0[%dma_start3A_4, %dma_start3A_5, %dma_start3A_14, %dma_start3A_15] : memref<8x4x1025x1280xf32, #tpu.memory_space<any>> -> memref<1x1x128x1280xf32, #tpu.memory_space<any>>
    %dma_start3A_17 = tpu.memref_squeeze %dma_start3A_16 : memref<1x1x128x1280xf32, #tpu.memory_space<any>> -> memref<128x1280xf32, #tpu.memory_space<any>>
    tpu.enqueue_dma source(%dma_start3A_17 : memref<128x1280xf32, #tpu.memory_space<any>>) target(%dma_start3A_13 : memref<128x1280xf32, #tpu.memory_space<vmem>>) target_semaphore(%dma_start3A_9 : memref<!tpu.dma_semaphore, #tpu.memory_space<semaphore_mem>>)
    %dma_start3A_18 = arith.constant 0 : i32
    %dma_start3A_19 = arith.constant 0 : i32
    %dma_start3A_20 = arith.constant 1 : i32
    %dma_start3A_21 = arith.constant 1 : i32
    %dma_start3A_22 = tpu.memref_slice %arg7[%dma_start3A_21] : memref<32x!tpu.dma_semaphore, #tpu.memory_space<semaphore_mem>> -> memref<1x!tpu.dma_semaphore, #tpu.memory_space<semaphore_mem>>
    %dma_start3A_23 = tpu.memref_squeeze %dma_start3A_22 : memref<1x!tpu.dma_semaphore, #tpu.memory_space<semaphore_mem>> -> memref<!tpu.dma_semaphore, #tpu.memory_space<semaphore_mem>>
    %dma_start3A_24 = arith.constant 0 : i32
    %dma_start3A_25 = arith.constant 0 : i32
    %dma_start3A_26 = tpu.memref_slice %arg3[%dma_start3A_20, %dma_start3A_24, %dma_start3A_25] : memref<32x128x1280xf32, #tpu.memory_space<vmem>> -> memref<1x128x1280xf32, #tpu.memory_space<vmem>>
    %dma_start3A_27 = tpu.memref_squeeze %dma_start3A_26 : memref<1x128x1280xf32, #tpu.memory_space<vmem>> -> memref<128x1280xf32, #tpu.memory_space<vmem>>
    %dma_start3A_28 = arith.constant 128 : i32
    %dma_start3A_29 = arith.constant 0 : i32
    %dma_start3A_30 = tpu.memref_slice %arg0[%dma_start3A_18, %dma_start3A_19, %dma_start3A_28, %dma_start3A_29] : memref<8x4x1025x1280xf32, #tpu.memory_space<any>> -> memref<1x1x128x1280xf32, #tpu.memory_space<any>>
    %dma_start3A_31 = tpu.memref_squeeze %dma_start3A_30 : memref<1x1x128x1280xf32, #tpu.memory_space<any>> -> memref<128x1280xf32, #tpu.memory_space<any>>
    tpu.enqueue_dma source(%dma_start3A_31 : memref<128x1280xf32, #tpu.memory_space<any>>) target(%dma_start3A_27 : memref<128x1280xf32, #tpu.memory_space<vmem>>) target_semaphore(%dma_start3A_23 : memref<!tpu.dma_semaphore, #tpu.memory_space<semaphore_mem>>)
    %dma_start3A_32 = arith.constant 0 : i32
    %dma_start3A_33 = arith.constant 0 : i32
    %dma_start3A_34 = arith.constant 2 : i32
    %dma_start3A_35 = arith.constant 2 : i32
    %dma_start3A_36 = tpu.memref_slice %arg7[%dma_start3A_35] : memref<32x!tpu.dma_semaphore, #tpu.memory_space<semaphore_mem>> -> memref<1x!tpu.dma_semaphore, #tpu.memory_space<semaphore_mem>>
    %dma_start3A_37 = tpu.memref_squeeze %dma_start3A_36 : memref<1x!tpu.dma_semaphore, #tpu.memory_space<semaphore_mem>> -> memref<!tpu.dma_semaphore, #tpu.memory_space<semaphore_mem>>
    %dma_start3A_38 = arith.constant 0 : i32
    %dma_start3A_39 = arith.constant 0 : i32
    %dma_start3A_40 = tpu.memref_slice %arg3[%dma_start3A_34, %dma_start3A_38, %dma_start3A_39] : memref<32x128x1280xf32, #tpu.memory_space<vmem>> -> memref<1x128x1280xf32, #tpu.memory_space<vmem>>
    %dma_start3A_41 = tpu.memref_squeeze %dma_start3A_40 : memref<1x128x1280xf32, #tpu.memory_space<vmem>> -> memref<128x1280xf32, #tpu.memory_space<vmem>>
    %dma_start3A_42 = arith.constant 256 : i32
    %dma_start3A_43 = arith.constant 0 : i32
    %dma_start3A_44 = tpu.memref_slice %arg0[%dma_start3A_32, %dma_start3A_33, %dma_start3A_42, %dma_start3A_43] : memref<8x4x1025x1280xf32, #tpu.memory_space<any>> -> memref<1x1x128x1280xf32, #tpu.memory_space<any>>
    %dma_start3A_45 = tpu.memref_squeeze %dma_start3A_44 : memref<1x1x128x1280xf32, #tpu.memory_space<any>> -> memref<128x1280xf32, #tpu.memory_space<any>>
    tpu.enqueue_dma source(%dma_start3A_45 : memref<128x1280xf32, #tpu.memory_space<any>>) target(%dma_start3A_41 : memref<128x1280xf32, #tpu.memory_space<vmem>>) target_semaphore(%dma_start3A_37 : memref<!tpu.dma_semaphore, #tpu.memory_space<semaphore_mem>>)
    %dma_start3A_46 = arith.constant 0 : i32
    %dma_start3A_47 = arith.constant 0 : i32
    %dma_start3A_48 = arith.constant 3 : i32
    %dma_start3A_49 = arith.constant 3 : i32
    %dma_start3A_50 = tpu.memref_slice %arg7[%dma_start3A_49] : memref<32x!tpu.dma_semaphore, #tpu.memory_space<semaphore_mem>> -> memref<1x!tpu.dma_semaphore, #tpu.memory_space<semaphore_mem>>
    %dma_start3A_51 = tpu.memref_squeeze %dma_start3A_50 : memref<1x!tpu.dma_semaphore, #tpu.memory_space<semaphore_mem>> -> memref<!tpu.dma_semaphore, #tpu.memory_space<semaphore_mem>>
    %dma_start3A_52 = arith.constant 0 : i32
    %dma_start3A_53 = arith.constant 0 : i32
    %dma_start3A_54 = tpu.memref_slice %arg3[%dma_start3A_48, %dma_start3A_52, %dma_start3A_53] : memref<32x128x1280xf32, #tpu.memory_space<vmem>> -> memref<1x128x1280xf32, #tpu.memory_space<vmem>>
    %dma_start3A_55 = tpu.memref_squeeze %dma_start3A_54 : memref<1x128x1280xf32, #tpu.memory_space<vmem>> -> memref<128x1280xf32, #tpu.memory_space<vmem>>
    %dma_start3A_56 = arith.constant 384 : i32
    %dma_start3A_57 = arith.constant 0 : i32
    %dma_start3A_58 = tpu.memref_slice %arg0[%dma_start3A_46, %dma_start3A_47, %dma_start3A_56, %dma_start3A_57] : memref<8x4x1025x1280xf32, #tpu.memory_space<any>> -> memref<1x1x128x1280xf32, #tpu.memory_space<any>>
    %dma_start3A_59 = tpu.memref_squeeze %dma_start3A_58 : memref<1x1x128x1280xf32, #tpu.memory_space<any>> -> memref<128x1280xf32, #tpu.memory_space<any>>
    tpu.enqueue_dma source(%dma_start3A_59 : memref<128x1280xf32, #tpu.memory_space<any>>) target(%dma_start3A_55 : memref<128x1280xf32, #tpu.memory_space<vmem>>) target_semaphore(%dma_start3A_51 : memref<!tpu.dma_semaphore, #tpu.memory_space<semaphore_mem>>)
    %dma_start3A_60 = arith.constant 0 : i32
    %dma_start3A_61 = arith.constant 0 : i32
    %dma_start3A_62 = arith.constant 4 : i32
    %dma_start3A_63 = arith.constant 4 : i32
    %dma_start3A_64 = tpu.memref_slice %arg7[%dma_start3A_63] : memref<32x!tpu.dma_semaphore, #tpu.memory_space<semaphore_mem>> -> memref<1x!tpu.dma_semaphore, #tpu.memory_space<semaphore_mem>>
    %dma_start3A_65 = tpu.memref_squeeze %dma_start3A_64 : memref<1x!tpu.dma_semaphore, #tpu.memory_space<semaphore_mem>> -> memref<!tpu.dma_semaphore, #tpu.memory_space<semaphore_mem>>
    %dma_start3A_66 = arith.constant 0 : i32
    %dma_start3A_67 = arith.constant 0 : i32
    %dma_start3A_68 = tpu.memref_slice %arg3[%dma_start3A_62, %dma_start3A_66, %dma_start3A_67] : memref<32x128x1280xf32, #tpu.memory_space<vmem>> -> memref<1x128x1280xf32, #tpu.memory_space<vmem>>
    %dma_start3A_69 = tpu.memref_squeeze %dma_start3A_68 : memref<1x128x1280xf32, #tpu.memory_space<vmem>> -> memref<128x1280xf32, #tpu.memory_space<vmem>>
    %dma_start3A_70 = arith.constant 512 : i32
    %dma_start3A_71 = arith.constant 0 : i32
    %dma_start3A_72 = tpu.memref_slice %arg0[%dma_start3A_60, %dma_start3A_61, %dma_start3A_70, %dma_start3A_71] : memref<8x4x1025x1280xf32, #tpu.memory_space<any>> -> memref<1x1x128x1280xf32, #tpu.memory_space<any>>
    %dma_start3A_73 = tpu.memref_squeeze %dma_start3A_72 : memref<1x1x128x1280xf32, #tpu.memory_space<any>> -> memref<128x1280xf32, #tpu.memory_space<any>>
    tpu.enqueue_dma source(%dma_start3A_73 : memref<128x1280xf32, #tpu.memory_space<any>>) target(%dma_start3A_69 : memref<128x1280xf32, #tpu.memory_space<vmem>>) target_semaphore(%dma_start3A_65 : memref<!tpu.dma_semaphore, #tpu.memory_space<semaphore_mem>>)
    %dma_start3A_74 = arith.constant 0 : i32
    %dma_start3A_75 = arith.constant 0 : i32
    %dma_start3A_76 = arith.constant 5 : i32
    %dma_start3A_77 = arith.constant 5 : i32
    %dma_start3A_78 = tpu.memref_slice %arg7[%dma_start3A_77] : memref<32x!tpu.dma_semaphore, #tpu.memory_space<semaphore_mem>> -> memref<1x!tpu.dma_semaphore, #tpu.memory_space<semaphore_mem>>
    %dma_start3A_79 = tpu.memref_squeeze %dma_start3A_78 : memref<1x!tpu.dma_semaphore, #tpu.memory_space<semaphore_mem>> -> memref<!tpu.dma_semaphore, #tpu.memory_space<semaphore_mem>>
    %dma_start3A_80 = arith.constant 0 : i32
    %dma_start3A_81 = arith.constant 0 : i32
    %dma_start3A_82 = tpu.memref_slice %arg3[%dma_start3A_76, %dma_start3A_80, %dma_start3A_81] : memref<32x128x1280xf32, #tpu.memory_space<vmem>> -> memref<1x128x1280xf32, #tpu.memory_space<vmem>>
    %dma_start3A_83 = tpu.memref_squeeze %dma_start3A_82 : memref<1x128x1280xf32, #tpu.memory_space<vmem>> -> memref<128x1280xf32, #tpu.memory_space<vmem>>
    %dma_start3A_84 = arith.constant 640 : i32
    %dma_start3A_85 = arith.constant 0 : i32
    %dma_start3A_86 = tpu.memref_slice %arg0[%dma_start3A_74, %dma_start3A_75, %dma_start3A_84, %dma_start3A_85] : memref<8x4x1025x1280xf32, #tpu.memory_space<any>> -> memref<1x1x128x1280xf32, #tpu.memory_space<any>>
    %dma_start3A_87 = tpu.memref_squeeze %dma_start3A_86 : memref<1x1x128x1280xf32, #tpu.memory_space<any>> -> memref<128x1280xf32, #tpu.memory_space<any>>
    tpu.enqueue_dma source(%dma_start3A_87 : memref<128x1280xf32, #tpu.memory_space<any>>) target(%dma_start3A_83 : memref<128x1280xf32, #tpu.memory_space<vmem>>) target_semaphore(%dma_start3A_79 : memref<!tpu.dma_semaphore, #tpu.memory_space<semaphore_mem>>)
    %dma_start3A_88 = arith.constant 0 : i32
    %dma_start3A_89 = arith.constant 0 : i32
    %dma_start3A_90 = arith.constant 6 : i32
    %dma_start3A_91 = arith.constant 6 : i32
    %dma_start3A_92 = tpu.memref_slice %arg7[%dma_start3A_91] : memref<32x!tpu.dma_semaphore, #tpu.memory_space<semaphore_mem>> -> memref<1x!tpu.dma_semaphore, #tpu.memory_space<semaphore_mem>>
    %dma_start3A_93 = tpu.memref_squeeze %dma_start3A_92 : memref<1x!tpu.dma_semaphore, #tpu.memory_space<semaphore_mem>> -> memref<!tpu.dma_semaphore, #tpu.memory_space<semaphore_mem>>
    %dma_start3A_94 = arith.constant 0 : i32
    %dma_start3A_95 = arith.constant 0 : i32
    %dma_start3A_96 = tpu.memref_slice %arg3[%dma_start3A_90, %dma_start3A_94, %dma_start3A_95] : memref<32x128x1280xf32, #tpu.memory_space<vmem>> -> memref<1x128x1280xf32, #tpu.memory_space<vmem>>
    %dma_start3A_97 = tpu.memref_squeeze %dma_start3A_96 : memref<1x128x1280xf32, #tpu.memory_space<vmem>> -> memref<128x1280xf32, #tpu.memory_space<vmem>>
    %dma_start3A_98 = arith.constant 768 : i32
    %dma_start3A_99 = arith.constant 0 : i32
    %dma_start3A_100 = tpu.memref_slice %arg0[%dma_start3A_88, %dma_start3A_89, %dma_start3A_98, %dma_start3A_99] : memref<8x4x1025x1280xf32, #tpu.memory_space<any>> -> memref<1x1x128x1280xf32, #tpu.memory_space<any>>
    %dma_start3A_101 = tpu.memref_squeeze %dma_start3A_100 : memref<1x1x128x1280xf32, #tpu.memory_space<any>> -> memref<128x1280xf32, #tpu.memory_space<any>>
    tpu.enqueue_dma source(%dma_start3A_101 : memref<128x1280xf32, #tpu.memory_space<any>>) target(%dma_start3A_97 : memref<128x1280xf32, #tpu.memory_space<vmem>>) target_semaphore(%dma_start3A_93 : memref<!tpu.dma_semaphore, #tpu.memory_space<semaphore_mem>>)
    %dma_start3A_102 = arith.constant 0 : i32
    %dma_start3A_103 = arith.constant 0 : i32
    %dma_start3A_104 = arith.constant 7 : i32
    %dma_start3A_105 = arith.constant 7 : i32
    %dma_start3A_106 = tpu.memref_slice %arg7[%dma_start3A_105] : memref<32x!tpu.dma_semaphore, #tpu.memory_space<semaphore_mem>> -> memref<1x!tpu.dma_semaphore, #tpu.memory_space<semaphore_mem>>
    %dma_start3A_107 = tpu.memref_squeeze %dma_start3A_106 : memref<1x!tpu.dma_semaphore, #tpu.memory_space<semaphore_mem>> -> memref<!tpu.dma_semaphore, #tpu.memory_space<semaphore_mem>>
    %dma_start3A_108 = arith.constant 0 : i32
    %dma_start3A_109 = arith.constant 0 : i32
    %dma_start3A_110 = tpu.memref_slice %arg3[%dma_start3A_104, %dma_start3A_108, %dma_start3A_109] : memref<32x128x1280xf32, #tpu.memory_space<vmem>> -> memref<1x128x1280xf32, #tpu.memory_space<vmem>>
    %dma_start3A_111 = tpu.memref_squeeze %dma_start3A_110 : memref<1x128x1280xf32, #tpu.memory_space<vmem>> -> memref<128x1280xf32, #tpu.memory_space<vmem>>
    %dma_start3A_112 = arith.constant 896 : i32
    %dma_start3A_113 = arith.constant 0 : i32
    %dma_start3A_114 = tpu.memref_slice %arg0[%dma_start3A_102, %dma_start3A_103, %dma_start3A_112, %dma_start3A_113] : memref<8x4x1025x1280xf32, #tpu.memory_space<any>> -> memref<1x1x128x1280xf32, #tpu.memory_space<any>>
    %dma_start3A_115 = tpu.memref_squeeze %dma_start3A_114 : memref<1x1x128x1280xf32, #tpu.memory_space<any>> -> memref<128x1280xf32, #tpu.memory_space<any>>
    tpu.enqueue_dma source(%dma_start3A_115 : memref<128x1280xf32, #tpu.memory_space<any>>) target(%dma_start3A_111 : memref<128x1280xf32, #tpu.memory_space<vmem>>) target_semaphore(%dma_start3A_107 : memref<!tpu.dma_semaphore, #tpu.memory_space<semaphore_mem>>)
    %dma_start3A_116 = arith.constant 0 : i32
    %dma_start3A_117 = arith.constant 1 : i32
    %dma_start3A_118 = arith.constant 8 : i32
    %dma_start3A_119 = arith.constant 8 : i32
    %dma_start3A_120 = tpu.memref_slice %arg7[%dma_start3A_119] : memref<32x!tpu.dma_semaphore, #tpu.memory_space<semaphore_mem>> -> memref<1x!tpu.dma_semaphore, #tpu.memory_space<semaphore_mem>>
    %dma_start3A_121 = tpu.memref_squeeze %dma_start3A_120 : memref<1x!tpu.dma_semaphore, #tpu.memory_space<semaphore_mem>> -> memref<!tpu.dma_semaphore, #tpu.memory_space<semaphore_mem>>
    %dma_start3A_122 = arith.constant 0 : i32
    %dma_start3A_123 = arith.constant 0 : i32
    %dma_start3A_124 = tpu.memref_slice %arg3[%dma_start3A_118, %dma_start3A_122, %dma_start3A_123] : memref<32x128x1280xf32, #tpu.memory_space<vmem>> -> memref<1x128x1280xf32, #tpu.memory_space<vmem>>
    %dma_start3A_125 = tpu.memref_squeeze %dma_start3A_124 : memref<1x128x1280xf32, #tpu.memory_space<vmem>> -> memref<128x1280xf32, #tpu.memory_space<vmem>>
    %dma_start3A_126 = arith.constant 0 : i32
    %dma_start3A_127 = arith.constant 0 : i32
    %dma_start3A_128 = tpu.memref_slice %arg0[%dma_start3A_116, %dma_start3A_117, %dma_start3A_126, %dma_start3A_127] : memref<8x4x1025x1280xf32, #tpu.memory_space<any>> -> memref<1x1x128x1280xf32, #tpu.memory_space<any>>
    %dma_start3A_129 = tpu.memref_squeeze %dma_start3A_128 : memref<1x1x128x1280xf32, #tpu.memory_space<any>> -> memref<128x1280xf32, #tpu.memory_space<any>>
    tpu.enqueue_dma source(%dma_start3A_129 : memref<128x1280xf32, #tpu.memory_space<any>>) target(%dma_start3A_125 : memref<128x1280xf32, #tpu.memory_space<vmem>>) target_semaphore(%dma_start3A_121 : memref<!tpu.dma_semaphore, #tpu.memory_space<semaphore_mem>>)
    %dma_start3A_130 = arith.constant 0 : i32
    %dma_start3A_131 = arith.constant 1 : i32
    %dma_start3A_132 = arith.constant 9 : i32
    %dma_start3A_133 = arith.constant 9 : i32
    %dma_start3A_134 = tpu.memref_slice %arg7[%dma_start3A_133] : memref<32x!tpu.dma_semaphore, #tpu.memory_space<semaphore_mem>> -> memref<1x!tpu.dma_semaphore, #tpu.memory_space<semaphore_mem>>
    %dma_start3A_135 = tpu.memref_squeeze %dma_start3A_134 : memref<1x!tpu.dma_semaphore, #tpu.memory_space<semaphore_mem>> -> memref<!tpu.dma_semaphore, #tpu.memory_space<semaphore_mem>>
    %dma_start3A_136 = arith.constant 0 : i32
    %dma_start3A_137 = arith.constant 0 : i32
    %dma_start3A_138 = tpu.memref_slice %arg3[%dma_start3A_132, %dma_start3A_136, %dma_start3A_137] : memref<32x128x1280xf32, #tpu.memory_space<vmem>> -> memref<1x128x1280xf32, #tpu.memory_space<vmem>>
    %dma_start3A_139 = tpu.memref_squeeze %dma_start3A_138 : memref<1x128x1280xf32, #tpu.memory_space<vmem>> -> memref<128x1280xf32, #tpu.memory_space<vmem>>
    %dma_start3A_140 = arith.constant 128 : i32
    %dma_start3A_141 = arith.constant 0 : i32
    %dma_start3A_142 = tpu.memref_slice %arg0[%dma_start3A_130, %dma_start3A_131, %dma_start3A_140, %dma_start3A_141] : memref<8x4x1025x1280xf32, #tpu.memory_space<any>> -> memref<1x1x128x1280xf32, #tpu.memory_space<any>>
    %dma_start3A_143 = tpu.memref_squeeze %dma_start3A_142 : memref<1x1x128x1280xf32, #tpu.memory_space<any>> -> memref<128x1280xf32, #tpu.memory_space<any>>
    tpu.enqueue_dma source(%dma_start3A_143 : memref<128x1280xf32, #tpu.memory_space<any>>) target(%dma_start3A_139 : memref<128x1280xf32, #tpu.memory_space<vmem>>) target_semaphore(%dma_start3A_135 : memref<!tpu.dma_semaphore, #tpu.memory_space<semaphore_mem>>)
    %dma_start3A_144 = arith.constant 0 : i32
    %dma_start3A_145 = arith.constant 1 : i32
    %dma_start3A_146 = arith.constant 10 : i32
    %dma_start3A_147 = arith.constant 10 : i32
    %dma_start3A_148 = tpu.memref_slice %arg7[%dma_start3A_147] : memref<32x!tpu.dma_semaphore, #tpu.memory_space<semaphore_mem>> -> memref<1x!tpu.dma_semaphore, #tpu.memory_space<semaphore_mem>>
    %dma_start3A_149 = tpu.memref_squeeze %dma_start3A_148 : memref<1x!tpu.dma_semaphore, #tpu.memory_space<semaphore_mem>> -> memref<!tpu.dma_semaphore, #tpu.memory_space<semaphore_mem>>
    %dma_start3A_150 = arith.constant 0 : i32
    %dma_start3A_151 = arith.constant 0 : i32
    %dma_start3A_152 = tpu.memref_slice %arg3[%dma_start3A_146, %dma_start3A_150, %dma_start3A_151] : memref<32x128x1280xf32, #tpu.memory_space<vmem>> -> memref<1x128x1280xf32, #tpu.memory_space<vmem>>
    %dma_start3A_153 = tpu.memref_squeeze %dma_start3A_152 : memref<1x128x1280xf32, #tpu.memory_space<vmem>> -> memref<128x1280xf32, #tpu.memory_space<vmem>>
    %dma_start3A_154 = arith.constant 256 : i32
    %dma_start3A_155 = arith.constant 0 : i32
    %dma_start3A_156 = tpu.memref_slice %arg0[%dma_start3A_144, %dma_start3A_145, %dma_start3A_154, %dma_start3A_155] : memref<8x4x1025x1280xf32, #tpu.memory_space<any>> -> memref<1x1x128x1280xf32, #tpu.memory_space<any>>
    %dma_start3A_157 = tpu.memref_squeeze %dma_start3A_156 : memref<1x1x128x1280xf32, #tpu.memory_space<any>> -> memref<128x1280xf32, #tpu.memory_space<any>>
    tpu.enqueue_dma source(%dma_start3A_157 : memref<128x1280xf32, #tpu.memory_space<any>>) target(%dma_start3A_153 : memref<128x1280xf32, #tpu.memory_space<vmem>>) target_semaphore(%dma_start3A_149 : memref<!tpu.dma_semaphore, #tpu.memory_space<semaphore_mem>>)
    %dma_start3A_158 = arith.constant 0 : i32
    %dma_start3A_159 = arith.constant 1 : i32
    %dma_start3A_160 = arith.constant 11 : i32
    %dma_start3A_161 = arith.constant 11 : i32
    %dma_start3A_162 = tpu.memref_slice %arg7[%dma_start3A_161] : memref<32x!tpu.dma_semaphore, #tpu.memory_space<semaphore_mem>> -> memref<1x!tpu.dma_semaphore, #tpu.memory_space<semaphore_mem>>
    %dma_start3A_163 = tpu.memref_squeeze %dma_start3A_162 : memref<1x!tpu.dma_semaphore, #tpu.memory_space<semaphore_mem>> -> memref<!tpu.dma_semaphore, #tpu.memory_space<semaphore_mem>>
    %dma_start3A_164 = arith.constant 0 : i32
    %dma_start3A_165 = arith.constant 0 : i32
    %dma_start3A_166 = tpu.memref_slice %arg3[%dma_start3A_160, %dma_start3A_164, %dma_start3A_165] : memref<32x128x1280xf32, #tpu.memory_space<vmem>> -> memref<1x128x1280xf32, #tpu.memory_space<vmem>>
    %dma_start3A_167 = tpu.memref_squeeze %dma_start3A_166 : memref<1x128x1280xf32, #tpu.memory_space<vmem>> -> memref<128x1280xf32, #tpu.memory_space<vmem>>
    %dma_start3A_168 = arith.constant 384 : i32
    %dma_start3A_169 = arith.constant 0 : i32
    %dma_start3A_170 = tpu.memref_slice %arg0[%dma_start3A_158, %dma_start3A_159, %dma_start3A_168, %dma_start3A_169] : memref<8x4x1025x1280xf32, #tpu.memory_space<any>> -> memref<1x1x128x1280xf32, #tpu.memory_space<any>>
    %dma_start3A_171 = tpu.memref_squeeze %dma_start3A_170 : memref<1x1x128x1280xf32, #tpu.memory_space<any>> -> memref<128x1280xf32, #tpu.memory_space<any>>
    tpu.enqueue_dma source(%dma_start3A_171 : memref<128x1280xf32, #tpu.memory_space<any>>) target(%dma_start3A_167 : memref<128x1280xf32, #tpu.memory_space<vmem>>) target_semaphore(%dma_start3A_163 : memref<!tpu.dma_semaphore, #tpu.memory_space<semaphore_mem>>)
    %dma_start3A_172 = arith.constant 0 : i32
    %dma_start3A_173 = arith.constant 1 : i32
    %dma_start3A_174 = arith.constant 12 : i32
    %dma_start3A_175 = arith.constant 12 : i32
    %dma_start3A_176 = tpu.memref_slice %arg7[%dma_start3A_175] : memref<32x!tpu.dma_semaphore, #tpu.memory_space<semaphore_mem>> -> memref<1x!tpu.dma_semaphore, #tpu.memory_space<semaphore_mem>>
    %dma_start3A_177 = tpu.memref_squeeze %dma_start3A_176 : memref<1x!tpu.dma_semaphore, #tpu.memory_space<semaphore_mem>> -> memref<!tpu.dma_semaphore, #tpu.memory_space<semaphore_mem>>
    %dma_start3A_178 = arith.constant 0 : i32
    %dma_start3A_179 = arith.constant 0 : i32
    %dma_start3A_180 = tpu.memref_slice %arg3[%dma_start3A_174, %dma_start3A_178, %dma_start3A_179] : memref<32x128x1280xf32, #tpu.memory_space<vmem>> -> memref<1x128x1280xf32, #tpu.memory_space<vmem>>
    %dma_start3A_181 = tpu.memref_squeeze %dma_start3A_180 : memref<1x128x1280xf32, #tpu.memory_space<vmem>> -> memref<128x1280xf32, #tpu.memory_space<vmem>>
    %dma_start3A_182 = arith.constant 512 : i32
    %dma_start3A_183 = arith.constant 0 : i32
    %dma_start3A_184 = tpu.memref_slice %arg0[%dma_start3A_172, %dma_start3A_173, %dma_start3A_182, %dma_start3A_183] : memref<8x4x1025x1280xf32, #tpu.memory_space<any>> -> memref<1x1x128x1280xf32, #tpu.memory_space<any>>
    %dma_start3A_185 = tpu.memref_squeeze %dma_start3A_184 : memref<1x1x128x1280xf32, #tpu.memory_space<any>> -> memref<128x1280xf32, #tpu.memory_space<any>>
    tpu.enqueue_dma source(%dma_start3A_185 : memref<128x1280xf32, #tpu.memory_space<any>>) target(%dma_start3A_181 : memref<128x1280xf32, #tpu.memory_space<vmem>>) target_semaphore(%dma_start3A_177 : memref<!tpu.dma_semaphore, #tpu.memory_space<semaphore_mem>>)
    %dma_start3A_186 = arith.constant 0 : i32
    %dma_start3A_187 = arith.constant 1 : i32
    %dma_start3A_188 = arith.constant 13 : i32
    %dma_start3A_189 = arith.constant 13 : i32
    %dma_start3A_190 = tpu.memref_slice %arg7[%dma_start3A_189] : memref<32x!tpu.dma_semaphore, #tpu.memory_space<semaphore_mem>> -> memref<1x!tpu.dma_semaphore, #tpu.memory_space<semaphore_mem>>
    %dma_start3A_191 = tpu.memref_squeeze %dma_start3A_190 : memref<1x!tpu.dma_semaphore, #tpu.memory_space<semaphore_mem>> -> memref<!tpu.dma_semaphore, #tpu.memory_space<semaphore_mem>>
    %dma_start3A_192 = arith.constant 0 : i32
    %dma_start3A_193 = arith.constant 0 : i32
    %dma_start3A_194 = tpu.memref_slice %arg3[%dma_start3A_188, %dma_start3A_192, %dma_start3A_193] : memref<32x128x1280xf32, #tpu.memory_space<vmem>> -> memref<1x128x1280xf32, #tpu.memory_space<vmem>>
    %dma_start3A_195 = tpu.memref_squeeze %dma_start3A_194 : memref<1x128x1280xf32, #tpu.memory_space<vmem>> -> memref<128x1280xf32, #tpu.memory_space<vmem>>
    %dma_start3A_196 = arith.constant 640 : i32
    %dma_start3A_197 = arith.constant 0 : i32
    %dma_start3A_198 = tpu.memref_slice %arg0[%dma_start3A_186, %dma_start3A_187, %dma_start3A_196, %dma_start3A_197] : memref<8x4x1025x1280xf32, #tpu.memory_space<any>> -> memref<1x1x128x1280xf32, #tpu.memory_space<any>>
    %dma_start3A_199 = tpu.memref_squeeze %dma_start3A_198 : memref<1x1x128x1280xf32, #tpu.memory_space<any>> -> memref<128x1280xf32, #tpu.memory_space<any>>
    tpu.enqueue_dma source(%dma_start3A_199 : memref<128x1280xf32, #tpu.memory_space<any>>) target(%dma_start3A_195 : memref<128x1280xf32, #tpu.memory_space<vmem>>) target_semaphore(%dma_start3A_191 : memref<!tpu.dma_semaphore, #tpu.memory_space<semaphore_mem>>)
    %dma_start3A_200 = arith.constant 0 : i32
    %dma_start3A_201 = arith.constant 1 : i32
    %dma_start3A_202 = arith.constant 14 : i32
    %dma_start3A_203 = arith.constant 14 : i32
    %dma_start3A_204 = tpu.memref_slice %arg7[%dma_start3A_203] : memref<32x!tpu.dma_semaphore, #tpu.memory_space<semaphore_mem>> -> memref<1x!tpu.dma_semaphore, #tpu.memory_space<semaphore_mem>>
    %dma_start3A_205 = tpu.memref_squeeze %dma_start3A_204 : memref<1x!tpu.dma_semaphore, #tpu.memory_space<semaphore_mem>> -> memref<!tpu.dma_semaphore, #tpu.memory_space<semaphore_mem>>
    %dma_start3A_206 = arith.constant 0 : i32
    %dma_start3A_207 = arith.constant 0 : i32
    %dma_start3A_208 = tpu.memref_slice %arg3[%dma_start3A_202, %dma_start3A_206, %dma_start3A_207] : memref<32x128x1280xf32, #tpu.memory_space<vmem>> -> memref<1x128x1280xf32, #tpu.memory_space<vmem>>
    %dma_start3A_209 = tpu.memref_squeeze %dma_start3A_208 : memref<1x128x1280xf32, #tpu.memory_space<vmem>> -> memref<128x1280xf32, #tpu.memory_space<vmem>>
    %dma_start3A_210 = arith.constant 768 : i32
    %dma_start3A_211 = arith.constant 0 : i32
    %dma_start3A_212 = tpu.memref_slice %arg0[%dma_start3A_200, %dma_start3A_201, %dma_start3A_210, %dma_start3A_211] : memref<8x4x1025x1280xf32, #tpu.memory_space<any>> -> memref<1x1x128x1280xf32, #tpu.memory_space<any>>
    %dma_start3A_213 = tpu.memref_squeeze %dma_start3A_212 : memref<1x1x128x1280xf32, #tpu.memory_space<any>> -> memref<128x1280xf32, #tpu.memory_space<any>>
    tpu.enqueue_dma source(%dma_start3A_213 : memref<128x1280xf32, #tpu.memory_space<any>>) target(%dma_start3A_209 : memref<128x1280xf32, #tpu.memory_space<vmem>>) target_semaphore(%dma_start3A_205 : memref<!tpu.dma_semaphore, #tpu.memory_space<semaphore_mem>>)
    %dma_start3A_214 = arith.constant 0 : i32
    %dma_start3A_215 = arith.constant 1 : i32
    %dma_start3A_216 = arith.constant 15 : i32
    %dma_start3A_217 = arith.constant 15 : i32
    %dma_start3A_218 = tpu.memref_slice %arg7[%dma_start3A_217] : memref<32x!tpu.dma_semaphore, #tpu.memory_space<semaphore_mem>> -> memref<1x!tpu.dma_semaphore, #tpu.memory_space<semaphore_mem>>
    %dma_start3A_219 = tpu.memref_squeeze %dma_start3A_218 : memref<1x!tpu.dma_semaphore, #tpu.memory_space<semaphore_mem>> -> memref<!tpu.dma_semaphore, #tpu.memory_space<semaphore_mem>>
    %dma_start3A_220 = arith.constant 0 : i32
    %dma_start3A_221 = arith.constant 0 : i32
    %dma_start3A_222 = tpu.memref_slice %arg3[%dma_start3A_216, %dma_start3A_220, %dma_start3A_221] : memref<32x128x1280xf32, #tpu.memory_space<vmem>> -> memref<1x128x1280xf32, #tpu.memory_space<vmem>>
    %dma_start3A_223 = tpu.memref_squeeze %dma_start3A_222 : memref<1x128x1280xf32, #tpu.memory_space<vmem>> -> memref<128x1280xf32, #tpu.memory_space<vmem>>
    %dma_start3A_224 = arith.constant 896 : i32
    %dma_start3A_225 = arith.constant 0 : i32
    %dma_start3A_226 = tpu.memref_slice %arg0[%dma_start3A_214, %dma_start3A_215, %dma_start3A_224, %dma_start3A_225] : memref<8x4x1025x1280xf32, #tpu.memory_space<any>> -> memref<1x1x128x1280xf32, #tpu.memory_space<any>>
    %dma_start3A_227 = tpu.memref_squeeze %dma_start3A_226 : memref<1x1x128x1280xf32, #tpu.memory_space<any>> -> memref<128x1280xf32, #tpu.memory_space<any>>
    tpu.enqueue_dma source(%dma_start3A_227 : memref<128x1280xf32, #tpu.memory_space<any>>) target(%dma_start3A_223 : memref<128x1280xf32, #tpu.memory_space<vmem>>) target_semaphore(%dma_start3A_219 : memref<!tpu.dma_semaphore, #tpu.memory_space<semaphore_mem>>)
    %dma_start3A_228 = arith.constant 0 : i32
    %dma_start3A_229 = arith.constant 2 : i32
    %dma_start3A_230 = arith.constant 16 : i32
    %dma_start3A_231 = arith.constant 16 : i32
    %dma_start3A_232 = tpu.memref_slice %arg7[%dma_start3A_231] : memref<32x!tpu.dma_semaphore, #tpu.memory_space<semaphore_mem>> -> memref<1x!tpu.dma_semaphore, #tpu.memory_space<semaphore_mem>>
    %dma_start3A_233 = tpu.memref_squeeze %dma_start3A_232 : memref<1x!tpu.dma_semaphore, #tpu.memory_space<semaphore_mem>> -> memref<!tpu.dma_semaphore, #tpu.memory_space<semaphore_mem>>
    %dma_start3A_234 = arith.constant 0 : i32
    %dma_start3A_235 = arith.constant 0 : i32
    %dma_start3A_236 = tpu.memref_slice %arg3[%dma_start3A_230, %dma_start3A_234, %dma_start3A_235] : memref<32x128x1280xf32, #tpu.memory_space<vmem>> -> memref<1x128x1280xf32, #tpu.memory_space<vmem>>
    %dma_start3A_237 = tpu.memref_squeeze %dma_start3A_236 : memref<1x128x1280xf32, #tpu.memory_space<vmem>> -> memref<128x1280xf32, #tpu.memory_space<vmem>>
    %dma_start3A_238 = arith.constant 0 : i32
    %dma_start3A_239 = arith.constant 0 : i32
    %dma_start3A_240 = tpu.memref_slice %arg0[%dma_start3A_228, %dma_start3A_229, %dma_start3A_238, %dma_start3A_239] : memref<8x4x1025x1280xf32, #tpu.memory_space<any>> -> memref<1x1x128x1280xf32, #tpu.memory_space<any>>
    %dma_start3A_241 = tpu.memref_squeeze %dma_start3A_240 : memref<1x1x128x1280xf32, #tpu.memory_space<any>> -> memref<128x1280xf32, #tpu.memory_space<any>>
    tpu.enqueue_dma source(%dma_start3A_241 : memref<128x1280xf32, #tpu.memory_space<any>>) target(%dma_start3A_237 : memref<128x1280xf32, #tpu.memory_space<vmem>>) target_semaphore(%dma_start3A_233 : memref<!tpu.dma_semaphore, #tpu.memory_space<semaphore_mem>>)
    %dma_start3A_242 = arith.constant 0 : i32
    %dma_start3A_243 = arith.constant 2 : i32
    %dma_start3A_244 = arith.constant 17 : i32
    %dma_start3A_245 = arith.constant 17 : i32
    %dma_start3A_246 = tpu.memref_slice %arg7[%dma_start3A_245] : memref<32x!tpu.dma_semaphore, #tpu.memory_space<semaphore_mem>> -> memref<1x!tpu.dma_semaphore, #tpu.memory_space<semaphore_mem>>
    %dma_start3A_247 = tpu.memref_squeeze %dma_start3A_246 : memref<1x!tpu.dma_semaphore, #tpu.memory_space<semaphore_mem>> -> memref<!tpu.dma_semaphore, #tpu.memory_space<semaphore_mem>>
    %dma_start3A_248 = arith.constant 0 : i32
    %dma_start3A_249 = arith.constant 0 : i32
    %dma_start3A_250 = tpu.memref_slice %arg3[%dma_start3A_244, %dma_start3A_248, %dma_start3A_249] : memref<32x128x1280xf32, #tpu.memory_space<vmem>> -> memref<1x128x1280xf32, #tpu.memory_space<vmem>>
    %dma_start3A_251 = tpu.memref_squeeze %dma_start3A_250 : memref<1x128x1280xf32, #tpu.memory_space<vmem>> -> memref<128x1280xf32, #tpu.memory_space<vmem>>
    %dma_start3A_252 = arith.constant 128 : i32
    %dma_start3A_253 = arith.constant 0 : i32
    %dma_start3A_254 = tpu.memref_slice %arg0[%dma_start3A_242, %dma_start3A_243, %dma_start3A_252, %dma_start3A_253] : memref<8x4x1025x1280xf32, #tpu.memory_space<any>> -> memref<1x1x128x1280xf32, #tpu.memory_space<any>>
    %dma_start3A_255 = tpu.memref_squeeze %dma_start3A_254 : memref<1x1x128x1280xf32, #tpu.memory_space<any>> -> memref<128x1280xf32, #tpu.memory_space<any>>
    tpu.enqueue_dma source(%dma_start3A_255 : memref<128x1280xf32, #tpu.memory_space<any>>) target(%dma_start3A_251 : memref<128x1280xf32, #tpu.memory_space<vmem>>) target_semaphore(%dma_start3A_247 : memref<!tpu.dma_semaphore, #tpu.memory_space<semaphore_mem>>)
    %dma_start3A_256 = arith.constant 0 : i32
    %dma_start3A_257 = arith.constant 2 : i32
    %dma_start3A_258 = arith.constant 18 : i32
    %dma_start3A_259 = arith.constant 18 : i32
    %dma_start3A_260 = tpu.memref_slice %arg7[%dma_start3A_259] : memref<32x!tpu.dma_semaphore, #tpu.memory_space<semaphore_mem>> -> memref<1x!tpu.dma_semaphore, #tpu.memory_space<semaphore_mem>>
    %dma_start3A_261 = tpu.memref_squeeze %dma_start3A_260 : memref<1x!tpu.dma_semaphore, #tpu.memory_space<semaphore_mem>> -> memref<!tpu.dma_semaphore, #tpu.memory_space<semaphore_mem>>
    %dma_start3A_262 = arith.constant 0 : i32
    %dma_start3A_263 = arith.constant 0 : i32
    %dma_start3A_264 = tpu.memref_slice %arg3[%dma_start3A_258, %dma_start3A_262, %dma_start3A_263] : memref<32x128x1280xf32, #tpu.memory_space<vmem>> -> memref<1x128x1280xf32, #tpu.memory_space<vmem>>
    %dma_start3A_265 = tpu.memref_squeeze %dma_start3A_264 : memref<1x128x1280xf32, #tpu.memory_space<vmem>> -> memref<128x1280xf32, #tpu.memory_space<vmem>>
    %dma_start3A_266 = arith.constant 256 : i32
    %dma_start3A_267 = arith.constant 0 : i32
    %dma_start3A_268 = tpu.memref_slice %arg0[%dma_start3A_256, %dma_start3A_257, %dma_start3A_266, %dma_start3A_267] : memref<8x4x1025x1280xf32, #tpu.memory_space<any>> -> memref<1x1x128x1280xf32, #tpu.memory_space<any>>
    %dma_start3A_269 = tpu.memref_squeeze %dma_start3A_268 : memref<1x1x128x1280xf32, #tpu.memory_space<any>> -> memref<128x1280xf32, #tpu.memory_space<any>>
    tpu.enqueue_dma source(%dma_start3A_269 : memref<128x1280xf32, #tpu.memory_space<any>>) target(%dma_start3A_265 : memref<128x1280xf32, #tpu.memory_space<vmem>>) target_semaphore(%dma_start3A_261 : memref<!tpu.dma_semaphore, #tpu.memory_space<semaphore_mem>>)
    %dma_start3A_270 = arith.constant 0 : i32
    %dma_start3A_271 = arith.constant 2 : i32
    %dma_start3A_272 = arith.constant 19 : i32
    %dma_start3A_273 = arith.constant 19 : i32
    %dma_start3A_274 = tpu.memref_slice %arg7[%dma_start3A_273] : memref<32x!tpu.dma_semaphore, #tpu.memory_space<semaphore_mem>> -> memref<1x!tpu.dma_semaphore, #tpu.memory_space<semaphore_mem>>
    %dma_start3A_275 = tpu.memref_squeeze %dma_start3A_274 : memref<1x!tpu.dma_semaphore, #tpu.memory_space<semaphore_mem>> -> memref<!tpu.dma_semaphore, #tpu.memory_space<semaphore_mem>>
    %dma_start3A_276 = arith.constant 0 : i32
    %dma_start3A_277 = arith.constant 0 : i32
    %dma_start3A_278 = tpu.memref_slice %arg3[%dma_start3A_272, %dma_start3A_276, %dma_start3A_277] : memref<32x128x1280xf32, #tpu.memory_space<vmem>> -> memref<1x128x1280xf32, #tpu.memory_space<vmem>>
    %dma_start3A_279 = tpu.memref_squeeze %dma_start3A_278 : memref<1x128x1280xf32, #tpu.memory_space<vmem>> -> memref<128x1280xf32, #tpu.memory_space<vmem>>
    %dma_start3A_280 = arith.constant 384 : i32
    %dma_start3A_281 = arith.constant 0 : i32
    %dma_start3A_282 = tpu.memref_slice %arg0[%dma_start3A_270, %dma_start3A_271, %dma_start3A_280, %dma_start3A_281] : memref<8x4x1025x1280xf32, #tpu.memory_space<any>> -> memref<1x1x128x1280xf32, #tpu.memory_space<any>>
    %dma_start3A_283 = tpu.memref_squeeze %dma_start3A_282 : memref<1x1x128x1280xf32, #tpu.memory_space<any>> -> memref<128x1280xf32, #tpu.memory_space<any>>
    tpu.enqueue_dma source(%dma_start3A_283 : memref<128x1280xf32, #tpu.memory_space<any>>) target(%dma_start3A_279 : memref<128x1280xf32, #tpu.memory_space<vmem>>) target_semaphore(%dma_start3A_275 : memref<!tpu.dma_semaphore, #tpu.memory_space<semaphore_mem>>)
    %dma_start3A_284 = arith.constant 0 : i32
    %dma_start3A_285 = arith.constant 2 : i32
    %dma_start3A_286 = arith.constant 20 : i32
    %dma_start3A_287 = arith.constant 20 : i32
    %dma_start3A_288 = tpu.memref_slice %arg7[%dma_start3A_287] : memref<32x!tpu.dma_semaphore, #tpu.memory_space<semaphore_mem>> -> memref<1x!tpu.dma_semaphore, #tpu.memory_space<semaphore_mem>>
    %dma_start3A_289 = tpu.memref_squeeze %dma_start3A_288 : memref<1x!tpu.dma_semaphore, #tpu.memory_space<semaphore_mem>> -> memref<!tpu.dma_semaphore, #tpu.memory_space<semaphore_mem>>
    %dma_start3A_290 = arith.constant 0 : i32
    %dma_start3A_291 = arith.constant 0 : i32
    %dma_start3A_292 = tpu.memref_slice %arg3[%dma_start3A_286, %dma_start3A_290, %dma_start3A_291] : memref<32x128x1280xf32, #tpu.memory_space<vmem>> -> memref<1x128x1280xf32, #tpu.memory_space<vmem>>
    %dma_start3A_293 = tpu.memref_squeeze %dma_start3A_292 : memref<1x128x1280xf32, #tpu.memory_space<vmem>> -> memref<128x1280xf32, #tpu.memory_space<vmem>>
    %dma_start3A_294 = arith.constant 512 : i32
    %dma_start3A_295 = arith.constant 0 : i32
    %dma_start3A_296 = tpu.memref_slice %arg0[%dma_start3A_284, %dma_start3A_285, %dma_start3A_294, %dma_start3A_295] : memref<8x4x1025x1280xf32, #tpu.memory_space<any>> -> memref<1x1x128x1280xf32, #tpu.memory_space<any>>
    %dma_start3A_297 = tpu.memref_squeeze %dma_start3A_296 : memref<1x1x128x1280xf32, #tpu.memory_space<any>> -> memref<128x1280xf32, #tpu.memory_space<any>>
    tpu.enqueue_dma source(%dma_start3A_297 : memref<128x1280xf32, #tpu.memory_space<any>>) target(%dma_start3A_293 : memref<128x1280xf32, #tpu.memory_space<vmem>>) target_semaphore(%dma_start3A_289 : memref<!tpu.dma_semaphore, #tpu.memory_space<semaphore_mem>>)
    %dma_start3A_298 = arith.constant 0 : i32
    %dma_start3A_299 = arith.constant 2 : i32
    %dma_start3A_300 = arith.constant 21 : i32
    %dma_start3A_301 = arith.constant 21 : i32
    %dma_start3A_302 = tpu.memref_slice %arg7[%dma_start3A_301] : memref<32x!tpu.dma_semaphore, #tpu.memory_space<semaphore_mem>> -> memref<1x!tpu.dma_semaphore, #tpu.memory_space<semaphore_mem>>
    %dma_start3A_303 = tpu.memref_squeeze %dma_start3A_302 : memref<1x!tpu.dma_semaphore, #tpu.memory_space<semaphore_mem>> -> memref<!tpu.dma_semaphore, #tpu.memory_space<semaphore_mem>>
    %dma_start3A_304 = arith.constant 0 : i32
    %dma_start3A_305 = arith.constant 0 : i32
    %dma_start3A_306 = tpu.memref_slice %arg3[%dma_start3A_300, %dma_start3A_304, %dma_start3A_305] : memref<32x128x1280xf32, #tpu.memory_space<vmem>> -> memref<1x128x1280xf32, #tpu.memory_space<vmem>>
    %dma_start3A_307 = tpu.memref_squeeze %dma_start3A_306 : memref<1x128x1280xf32, #tpu.memory_space<vmem>> -> memref<128x1280xf32, #tpu.memory_space<vmem>>
    %dma_start3A_308 = arith.constant 640 : i32
    %dma_start3A_309 = arith.constant 0 : i32
    %dma_start3A_310 = tpu.memref_slice %arg0[%dma_start3A_298, %dma_start3A_299, %dma_start3A_308, %dma_start3A_309] : memref<8x4x1025x1280xf32, #tpu.memory_space<any>> -> memref<1x1x128x1280xf32, #tpu.memory_space<any>>
    %dma_start3A_311 = tpu.memref_squeeze %dma_start3A_310 : memref<1x1x128x1280xf32, #tpu.memory_space<any>> -> memref<128x1280xf32, #tpu.memory_space<any>>
    tpu.enqueue_dma source(%dma_start3A_311 : memref<128x1280xf32, #tpu.memory_space<any>>) target(%dma_start3A_307 : memref<128x1280xf32, #tpu.memory_space<vmem>>) target_semaphore(%dma_start3A_303 : memref<!tpu.dma_semaphore, #tpu.memory_space<semaphore_mem>>)
    %dma_start3A_312 = arith.constant 0 : i32
    %dma_start3A_313 = arith.constant 2 : i32
    %dma_start3A_314 = arith.constant 22 : i32
    %dma_start3A_315 = arith.constant 22 : i32
    %dma_start3A_316 = tpu.memref_slice %arg7[%dma_start3A_315] : memref<32x!tpu.dma_semaphore, #tpu.memory_space<semaphore_mem>> -> memref<1x!tpu.dma_semaphore, #tpu.memory_space<semaphore_mem>>
    %dma_start3A_317 = tpu.memref_squeeze %dma_start3A_316 : memref<1x!tpu.dma_semaphore, #tpu.memory_space<semaphore_mem>> -> memref<!tpu.dma_semaphore, #tpu.memory_space<semaphore_mem>>
    %dma_start3A_318 = arith.constant 0 : i32
    %dma_start3A_319 = arith.constant 0 : i32
    %dma_start3A_320 = tpu.memref_slice %arg3[%dma_start3A_314, %dma_start3A_318, %dma_start3A_319] : memref<32x128x1280xf32, #tpu.memory_space<vmem>> -> memref<1x128x1280xf32, #tpu.memory_space<vmem>>
    %dma_start3A_321 = tpu.memref_squeeze %dma_start3A_320 : memref<1x128x1280xf32, #tpu.memory_space<vmem>> -> memref<128x1280xf32, #tpu.memory_space<vmem>>
    %dma_start3A_322 = arith.constant 768 : i32
    %dma_start3A_323 = arith.constant 0 : i32
    %dma_start3A_324 = tpu.memref_slice %arg0[%dma_start3A_312, %dma_start3A_313, %dma_start3A_322, %dma_start3A_323] : memref<8x4x1025x1280xf32, #tpu.memory_space<any>> -> memref<1x1x128x1280xf32, #tpu.memory_space<any>>
    %dma_start3A_325 = tpu.memref_squeeze %dma_start3A_324 : memref<1x1x128x1280xf32, #tpu.memory_space<any>> -> memref<128x1280xf32, #tpu.memory_space<any>>
    tpu.enqueue_dma source(%dma_start3A_325 : memref<128x1280xf32, #tpu.memory_space<any>>) target(%dma_start3A_321 : memref<128x1280xf32, #tpu.memory_space<vmem>>) target_semaphore(%dma_start3A_317 : memref<!tpu.dma_semaphore, #tpu.memory_space<semaphore_mem>>)
    %dma_start3A_326 = arith.constant 0 : i32
    %dma_start3A_327 = arith.constant 2 : i32
    %dma_start3A_328 = arith.constant 23 : i32
    %dma_start3A_329 = arith.constant 23 : i32
    %dma_start3A_330 = tpu.memref_slice %arg7[%dma_start3A_329] : memref<32x!tpu.dma_semaphore, #tpu.memory_space<semaphore_mem>> -> memref<1x!tpu.dma_semaphore, #tpu.memory_space<semaphore_mem>>
    %dma_start3A_331 = tpu.memref_squeeze %dma_start3A_330 : memref<1x!tpu.dma_semaphore, #tpu.memory_space<semaphore_mem>> -> memref<!tpu.dma_semaphore, #tpu.memory_space<semaphore_mem>>
    %dma_start3A_332 = arith.constant 0 : i32
    %dma_start3A_333 = arith.constant 0 : i32
    %dma_start3A_334 = tpu.memref_slice %arg3[%dma_start3A_328, %dma_start3A_332, %dma_start3A_333] : memref<32x128x1280xf32, #tpu.memory_space<vmem>> -> memref<1x128x1280xf32, #tpu.memory_space<vmem>>
    %dma_start3A_335 = tpu.memref_squeeze %dma_start3A_334 : memref<1x128x1280xf32, #tpu.memory_space<vmem>> -> memref<128x1280xf32, #tpu.memory_space<vmem>>
    %dma_start3A_336 = arith.constant 896 : i32
    %dma_start3A_337 = arith.constant 0 : i32
    %dma_start3A_338 = tpu.memref_slice %arg0[%dma_start3A_326, %dma_start3A_327, %dma_start3A_336, %dma_start3A_337] : memref<8x4x1025x1280xf32, #tpu.memory_space<any>> -> memref<1x1x128x1280xf32, #tpu.memory_space<any>>
    %dma_start3A_339 = tpu.memref_squeeze %dma_start3A_338 : memref<1x1x128x1280xf32, #tpu.memory_space<any>> -> memref<128x1280xf32, #tpu.memory_space<any>>
    tpu.enqueue_dma source(%dma_start3A_339 : memref<128x1280xf32, #tpu.memory_space<any>>) target(%dma_start3A_335 : memref<128x1280xf32, #tpu.memory_space<vmem>>) target_semaphore(%dma_start3A_331 : memref<!tpu.dma_semaphore, #tpu.memory_space<semaphore_mem>>)
    %dma_start3A_340 = arith.constant 0 : i32
    %dma_start3A_341 = arith.constant 3 : i32
    %dma_start3A_342 = arith.constant 24 : i32
    %dma_start3A_343 = arith.constant 24 : i32
    %dma_start3A_344 = tpu.memref_slice %arg7[%dma_start3A_343] : memref<32x!tpu.dma_semaphore, #tpu.memory_space<semaphore_mem>> -> memref<1x!tpu.dma_semaphore, #tpu.memory_space<semaphore_mem>>
    %dma_start3A_345 = tpu.memref_squeeze %dma_start3A_344 : memref<1x!tpu.dma_semaphore, #tpu.memory_space<semaphore_mem>> -> memref<!tpu.dma_semaphore, #tpu.memory_space<semaphore_mem>>
    %dma_start3A_346 = arith.constant 0 : i32
    %dma_start3A_347 = arith.constant 0 : i32
    %dma_start3A_348 = tpu.memref_slice %arg3[%dma_start3A_342, %dma_start3A_346, %dma_start3A_347] : memref<32x128x1280xf32, #tpu.memory_space<vmem>> -> memref<1x128x1280xf32, #tpu.memory_space<vmem>>
    %dma_start3A_349 = tpu.memref_squeeze %dma_start3A_348 : memref<1x128x1280xf32, #tpu.memory_space<vmem>> -> memref<128x1280xf32, #tpu.memory_space<vmem>>
    %dma_start3A_350 = arith.constant 0 : i32
    %dma_start3A_351 = arith.constant 0 : i32
    %dma_start3A_352 = tpu.memref_slice %arg0[%dma_start3A_340, %dma_start3A_341, %dma_start3A_350, %dma_start3A_351] : memref<8x4x1025x1280xf32, #tpu.memory_space<any>> -> memref<1x1x128x1280xf32, #tpu.memory_space<any>>
    %dma_start3A_353 = tpu.memref_squeeze %dma_start3A_352 : memref<1x1x128x1280xf32, #tpu.memory_space<any>> -> memref<128x1280xf32, #tpu.memory_space<any>>
    tpu.enqueue_dma source(%dma_start3A_353 : memref<128x1280xf32, #tpu.memory_space<any>>) target(%dma_start3A_349 : memref<128x1280xf32, #tpu.memory_space<vmem>>) target_semaphore(%dma_start3A_345 : memref<!tpu.dma_semaphore, #tpu.memory_space<semaphore_mem>>)
    %dma_start3A_354 = arith.constant 0 : i32
    %dma_start3A_355 = arith.constant 3 : i32
    %dma_start3A_356 = arith.constant 25 : i32
    %dma_start3A_357 = arith.constant 25 : i32
    %dma_start3A_358 = tpu.memref_slice %arg7[%dma_start3A_357] : memref<32x!tpu.dma_semaphore, #tpu.memory_space<semaphore_mem>> -> memref<1x!tpu.dma_semaphore, #tpu.memory_space<semaphore_mem>>
    %dma_start3A_359 = tpu.memref_squeeze %dma_start3A_358 : memref<1x!tpu.dma_semaphore, #tpu.memory_space<semaphore_mem>> -> memref<!tpu.dma_semaphore, #tpu.memory_space<semaphore_mem>>
    %dma_start3A_360 = arith.constant 0 : i32
    %dma_start3A_361 = arith.constant 0 : i32
    %dma_start3A_362 = tpu.memref_slice %arg3[%dma_start3A_356, %dma_start3A_360, %dma_start3A_361] : memref<32x128x1280xf32, #tpu.memory_space<vmem>> -> memref<1x128x1280xf32, #tpu.memory_space<vmem>>
    %dma_start3A_363 = tpu.memref_squeeze %dma_start3A_362 : memref<1x128x1280xf32, #tpu.memory_space<vmem>> -> memref<128x1280xf32, #tpu.memory_space<vmem>>
    %dma_start3A_364 = arith.constant 128 : i32
    %dma_start3A_365 = arith.constant 0 : i32
    %dma_start3A_366 = tpu.memref_slice %arg0[%dma_start3A_354, %dma_start3A_355, %dma_start3A_364, %dma_start3A_365] : memref<8x4x1025x1280xf32, #tpu.memory_space<any>> -> memref<1x1x128x1280xf32, #tpu.memory_space<any>>
    %dma_start3A_367 = tpu.memref_squeeze %dma_start3A_366 : memref<1x1x128x1280xf32, #tpu.memory_space<any>> -> memref<128x1280xf32, #tpu.memory_space<any>>
    tpu.enqueue_dma source(%dma_start3A_367 : memref<128x1280xf32, #tpu.memory_space<any>>) target(%dma_start3A_363 : memref<128x1280xf32, #tpu.memory_space<vmem>>) target_semaphore(%dma_start3A_359 : memref<!tpu.dma_semaphore, #tpu.memory_space<semaphore_mem>>)
    %dma_start3A_368 = arith.constant 0 : i32
    %dma_start3A_369 = arith.constant 3 : i32
    %dma_start3A_370 = arith.constant 26 : i32
    %dma_start3A_371 = arith.constant 26 : i32
    %dma_start3A_372 = tpu.memref_slice %arg7[%dma_start3A_371] : memref<32x!tpu.dma_semaphore, #tpu.memory_space<semaphore_mem>> -> memref<1x!tpu.dma_semaphore, #tpu.memory_space<semaphore_mem>>
    %dma_start3A_373 = tpu.memref_squeeze %dma_start3A_372 : memref<1x!tpu.dma_semaphore, #tpu.memory_space<semaphore_mem>> -> memref<!tpu.dma_semaphore, #tpu.memory_space<semaphore_mem>>
    %dma_start3A_374 = arith.constant 0 : i32
    %dma_start3A_375 = arith.constant 0 : i32
    %dma_start3A_376 = tpu.memref_slice %arg3[%dma_start3A_370, %dma_start3A_374, %dma_start3A_375] : memref<32x128x1280xf32, #tpu.memory_space<vmem>> -> memref<1x128x1280xf32, #tpu.memory_space<vmem>>
    %dma_start3A_377 = tpu.memref_squeeze %dma_start3A_376 : memref<1x128x1280xf32, #tpu.memory_space<vmem>> -> memref<128x1280xf32, #tpu.memory_space<vmem>>
    %dma_start3A_378 = arith.constant 256 : i32
    %dma_start3A_379 = arith.constant 0 : i32
    %dma_start3A_380 = tpu.memref_slice %arg0[%dma_start3A_368, %dma_start3A_369, %dma_start3A_378, %dma_start3A_379] : memref<8x4x1025x1280xf32, #tpu.memory_space<any>> -> memref<1x1x128x1280xf32, #tpu.memory_space<any>>
    %dma_start3A_381 = tpu.memref_squeeze %dma_start3A_380 : memref<1x1x128x1280xf32, #tpu.memory_space<any>> -> memref<128x1280xf32, #tpu.memory_space<any>>
    tpu.enqueue_dma source(%dma_start3A_381 : memref<128x1280xf32, #tpu.memory_space<any>>) target(%dma_start3A_377 : memref<128x1280xf32, #tpu.memory_space<vmem>>) target_semaphore(%dma_start3A_373 : memref<!tpu.dma_semaphore, #tpu.memory_space<semaphore_mem>>)
    %dma_start3A_382 = arith.constant 0 : i32
    %dma_start3A_383 = arith.constant 3 : i32
    %dma_start3A_384 = arith.constant 27 : i32
    %dma_start3A_385 = arith.constant 27 : i32
    %dma_start3A_386 = tpu.memref_slice %arg7[%dma_start3A_385] : memref<32x!tpu.dma_semaphore, #tpu.memory_space<semaphore_mem>> -> memref<1x!tpu.dma_semaphore, #tpu.memory_space<semaphore_mem>>
    %dma_start3A_387 = tpu.memref_squeeze %dma_start3A_386 : memref<1x!tpu.dma_semaphore, #tpu.memory_space<semaphore_mem>> -> memref<!tpu.dma_semaphore, #tpu.memory_space<semaphore_mem>>
    %dma_start3A_388 = arith.constant 0 : i32
    %dma_start3A_389 = arith.constant 0 : i32
    %dma_start3A_390 = tpu.memref_slice %arg3[%dma_start3A_384, %dma_start3A_388, %dma_start3A_389] : memref<32x128x1280xf32, #tpu.memory_space<vmem>> -> memref<1x128x1280xf32, #tpu.memory_space<vmem>>
    %dma_start3A_391 = tpu.memref_squeeze %dma_start3A_390 : memref<1x128x1280xf32, #tpu.memory_space<vmem>> -> memref<128x1280xf32, #tpu.memory_space<vmem>>
    %dma_start3A_392 = arith.constant 384 : i32
    %dma_start3A_393 = arith.constant 0 : i32
    %dma_start3A_394 = tpu.memref_slice %arg0[%dma_start3A_382, %dma_start3A_383, %dma_start3A_392, %dma_start3A_393] : memref<8x4x1025x1280xf32, #tpu.memory_space<any>> -> memref<1x1x128x1280xf32, #tpu.memory_space<any>>
    %dma_start3A_395 = tpu.memref_squeeze %dma_start3A_394 : memref<1x1x128x1280xf32, #tpu.memory_space<any>> -> memref<128x1280xf32, #tpu.memory_space<any>>
    tpu.enqueue_dma source(%dma_start3A_395 : memref<128x1280xf32, #tpu.memory_space<any>>) target(%dma_start3A_391 : memref<128x1280xf32, #tpu.memory_space<vmem>>) target_semaphore(%dma_start3A_387 : memref<!tpu.dma_semaphore, #tpu.memory_space<semaphore_mem>>)
    %dma_start3A_396 = arith.constant 0 : i32
    %dma_start3A_397 = arith.constant 3 : i32
    %dma_start3A_398 = arith.constant 28 : i32
    %dma_start3A_399 = arith.constant 28 : i32
    %dma_start3A_400 = tpu.memref_slice %arg7[%dma_start3A_399] : memref<32x!tpu.dma_semaphore, #tpu.memory_space<semaphore_mem>> -> memref<1x!tpu.dma_semaphore, #tpu.memory_space<semaphore_mem>>
    %dma_start3A_401 = tpu.memref_squeeze %dma_start3A_400 : memref<1x!tpu.dma_semaphore, #tpu.memory_space<semaphore_mem>> -> memref<!tpu.dma_semaphore, #tpu.memory_space<semaphore_mem>>
    %dma_start3A_402 = arith.constant 0 : i32
    %dma_start3A_403 = arith.constant 0 : i32
    %dma_start3A_404 = tpu.memref_slice %arg3[%dma_start3A_398, %dma_start3A_402, %dma_start3A_403] : memref<32x128x1280xf32, #tpu.memory_space<vmem>> -> memref<1x128x1280xf32, #tpu.memory_space<vmem>>
    %dma_start3A_405 = tpu.memref_squeeze %dma_start3A_404 : memref<1x128x1280xf32, #tpu.memory_space<vmem>> -> memref<128x1280xf32, #tpu.memory_space<vmem>>
    %dma_start3A_406 = arith.constant 512 : i32
    %dma_start3A_407 = arith.constant 0 : i32
    %dma_start3A_408 = tpu.memref_slice %arg0[%dma_start3A_396, %dma_start3A_397, %dma_start3A_406, %dma_start3A_407] : memref<8x4x1025x1280xf32, #tpu.memory_space<any>> -> memref<1x1x128x1280xf32, #tpu.memory_space<any>>
    %dma_start3A_409 = tpu.memref_squeeze %dma_start3A_408 : memref<1x1x128x1280xf32, #tpu.memory_space<any>> -> memref<128x1280xf32, #tpu.memory_space<any>>
    tpu.enqueue_dma source(%dma_start3A_409 : memref<128x1280xf32, #tpu.memory_space<any>>) target(%dma_start3A_405 : memref<128x1280xf32, #tpu.memory_space<vmem>>) target_semaphore(%dma_start3A_401 : memref<!tpu.dma_semaphore, #tpu.memory_space<semaphore_mem>>)
    %dma_start3A_410 = arith.constant 0 : i32
    %dma_start3A_411 = arith.constant 3 : i32
    %dma_start3A_412 = arith.constant 29 : i32
    %dma_start3A_413 = arith.constant 29 : i32
    %dma_start3A_414 = tpu.memref_slice %arg7[%dma_start3A_413] : memref<32x!tpu.dma_semaphore, #tpu.memory_space<semaphore_mem>> -> memref<1x!tpu.dma_semaphore, #tpu.memory_space<semaphore_mem>>
    %dma_start3A_415 = tpu.memref_squeeze %dma_start3A_414 : memref<1x!tpu.dma_semaphore, #tpu.memory_space<semaphore_mem>> -> memref<!tpu.dma_semaphore, #tpu.memory_space<semaphore_mem>>
    %dma_start3A_416 = arith.constant 0 : i32
    %dma_start3A_417 = arith.constant 0 : i32
    %dma_start3A_418 = tpu.memref_slice %arg3[%dma_start3A_412, %dma_start3A_416, %dma_start3A_417] : memref<32x128x1280xf32, #tpu.memory_space<vmem>> -> memref<1x128x1280xf32, #tpu.memory_space<vmem>>
    %dma_start3A_419 = tpu.memref_squeeze %dma_start3A_418 : memref<1x128x1280xf32, #tpu.memory_space<vmem>> -> memref<128x1280xf32, #tpu.memory_space<vmem>>
    %dma_start3A_420 = arith.constant 640 : i32
    %dma_start3A_421 = arith.constant 0 : i32
    %dma_start3A_422 = tpu.memref_slice %arg0[%dma_start3A_410, %dma_start3A_411, %dma_start3A_420, %dma_start3A_421] : memref<8x4x1025x1280xf32, #tpu.memory_space<any>> -> memref<1x1x128x1280xf32, #tpu.memory_space<any>>
    %dma_start3A_423 = tpu.memref_squeeze %dma_start3A_422 : memref<1x1x128x1280xf32, #tpu.memory_space<any>> -> memref<128x1280xf32, #tpu.memory_space<any>>
    tpu.enqueue_dma source(%dma_start3A_423 : memref<128x1280xf32, #tpu.memory_space<any>>) target(%dma_start3A_419 : memref<128x1280xf32, #tpu.memory_space<vmem>>) target_semaphore(%dma_start3A_415 : memref<!tpu.dma_semaphore, #tpu.memory_space<semaphore_mem>>)
    %dma_start3A_424 = arith.constant 0 : i32
    %dma_start3A_425 = arith.constant 3 : i32
    %dma_start3A_426 = arith.constant 30 : i32
    %dma_start3A_427 = arith.constant 30 : i32
    %dma_start3A_428 = tpu.memref_slice %arg7[%dma_start3A_427] : memref<32x!tpu.dma_semaphore, #tpu.memory_space<semaphore_mem>> -> memref<1x!tpu.dma_semaphore, #tpu.memory_space<semaphore_mem>>
    %dma_start3A_429 = tpu.memref_squeeze %dma_start3A_428 : memref<1x!tpu.dma_semaphore, #tpu.memory_space<semaphore_mem>> -> memref<!tpu.dma_semaphore, #tpu.memory_space<semaphore_mem>>
    %dma_start3A_430 = arith.constant 0 : i32
    %dma_start3A_431 = arith.constant 0 : i32
    %dma_start3A_432 = tpu.memref_slice %arg3[%dma_start3A_426, %dma_start3A_430, %dma_start3A_431] : memref<32x128x1280xf32, #tpu.memory_space<vmem>> -> memref<1x128x1280xf32, #tpu.memory_space<vmem>>
    %dma_start3A_433 = tpu.memref_squeeze %dma_start3A_432 : memref<1x128x1280xf32, #tpu.memory_space<vmem>> -> memref<128x1280xf32, #tpu.memory_space<vmem>>
    %dma_start3A_434 = arith.constant 768 : i32
    %dma_start3A_435 = arith.constant 0 : i32
    %dma_start3A_436 = tpu.memref_slice %arg0[%dma_start3A_424, %dma_start3A_425, %dma_start3A_434, %dma_start3A_435] : memref<8x4x1025x1280xf32, #tpu.memory_space<any>> -> memref<1x1x128x1280xf32, #tpu.memory_space<any>>
    %dma_start3A_437 = tpu.memref_squeeze %dma_start3A_436 : memref<1x1x128x1280xf32, #tpu.memory_space<any>> -> memref<128x1280xf32, #tpu.memory_space<any>>
    tpu.enqueue_dma source(%dma_start3A_437 : memref<128x1280xf32, #tpu.memory_space<any>>) target(%dma_start3A_433 : memref<128x1280xf32, #tpu.memory_space<vmem>>) target_semaphore(%dma_start3A_429 : memref<!tpu.dma_semaphore, #tpu.memory_space<semaphore_mem>>)
    %dma_start3A_438 = arith.constant 0 : i32
    %dma_start3A_439 = arith.constant 3 : i32
    %dma_start3A_440 = arith.constant 31 : i32
    %dma_start3A_441 = arith.constant 31 : i32
    %dma_start3A_442 = tpu.memref_slice %arg7[%dma_start3A_441] : memref<32x!tpu.dma_semaphore, #tpu.memory_space<semaphore_mem>> -> memref<1x!tpu.dma_semaphore, #tpu.memory_space<semaphore_mem>>
    %dma_start3A_443 = tpu.memref_squeeze %dma_start3A_442 : memref<1x!tpu.dma_semaphore, #tpu.memory_space<semaphore_mem>> -> memref<!tpu.dma_semaphore, #tpu.memory_space<semaphore_mem>>
    %dma_start3A_444 = arith.constant 0 : i32
    %dma_start3A_445 = arith.constant 0 : i32
    %dma_start3A_446 = tpu.memref_slice %arg3[%dma_start3A_440, %dma_start3A_444, %dma_start3A_445] : memref<32x128x1280xf32, #tpu.memory_space<vmem>> -> memref<1x128x1280xf32, #tpu.memory_space<vmem>>
    %dma_start3A_447 = tpu.memref_squeeze %dma_start3A_446 : memref<1x128x1280xf32, #tpu.memory_space<vmem>> -> memref<128x1280xf32, #tpu.memory_space<vmem>>
    %dma_start3A_448 = arith.constant 896 : i32
    %dma_start3A_449 = arith.constant 0 : i32
    %dma_start3A_450 = tpu.memref_slice %arg0[%dma_start3A_438, %dma_start3A_439, %dma_start3A_448, %dma_start3A_449] : memref<8x4x1025x1280xf32, #tpu.memory_space<any>> -> memref<1x1x128x1280xf32, #tpu.memory_space<any>>
    %dma_start3A_451 = tpu.memref_squeeze %dma_start3A_450 : memref<1x1x128x1280xf32, #tpu.memory_space<any>> -> memref<128x1280xf32, #tpu.memory_space<any>>
    tpu.enqueue_dma source(%dma_start3A_451 : memref<128x1280xf32, #tpu.memory_space<any>>) target(%dma_start3A_447 : memref<128x1280xf32, #tpu.memory_space<vmem>>) target_semaphore(%dma_start3A_443 : memref<!tpu.dma_semaphore, #tpu.memory_space<semaphore_mem>>)
    %scan3A = arith.constant 0 : i32
    %scan3A_452 = arith.constant 256 : i32
    %scan3A_453 = arith.addi %scan3A, %scan3A_452 : i32
    %scan3A_454 = arith.constant 1 : i32
    scf.for %scan3A_931 = %scan3A to %scan3A_453 step %scan3A_454  : i32 {
      %jit3A = arith.constant 32 : i32
      %eq3A = arith.constant 0 : i32
      %eq3A_932 = arith.cmpi eq, %jit3A, %eq3A : i32
      %jit3A_933 = arith.constant 1 : i32
      %select_n3A = arith.select %eq3A_932, %jit3A_933, %jit3A : i32
      %rem3A = arith.remsi %scan3A_931, %select_n3A : i32
      %ne3A = arith.constant 0 : i32
      %ne3A_934 = arith.cmpi ne, %rem3A, %ne3A : i32
      %lt3A = arith.constant 0 : i32
      %lt3A_935 = arith.cmpi slt, %rem3A, %lt3A : i32
      %lt3A_936 = arith.constant 0 : i32
      %lt3A_937 = arith.cmpi slt, %select_n3A, %lt3A_936 : i32
      %ne3A_938 = arith.xori %lt3A_935, %lt3A_937 : i1
      %and3A = arith.andi %ne3A_938, %ne3A_934 : i1
      %add3A_939 = arith.addi %rem3A, %select_n3A : i32
      %select_n3A_940 = arith.select %and3A, %add3A_939, %rem3A : i32
      %jit3A_941 = arith.constant 8 : i32
      %div3A = arith.divsi %scan3A_931, %jit3A_941 : i32
      %sign3A = arith.constant 0 : i32
      %sign3A_942 = arith.cmpi sgt, %scan3A_931, %sign3A : i32
      %sign3A_943 = arith.extui %sign3A_942 : i1 to i32
      %sign3A_944 = arith.constant 0 : i32
      %sign3A_945 = arith.cmpi slt, %scan3A_931, %sign3A_944 : i32
      %sign3A_946 = arith.extui %sign3A_945 : i1 to i32
      %sign3A_947 = arith.subi %sign3A_943, %sign3A_946 : i32
      %sign3A_948 = arith.constant 0 : i32
      %sign3A_949 = arith.cmpi sgt, %jit3A_941, %sign3A_948 : i32
      %sign3A_950 = arith.extui %sign3A_949 : i1 to i32
      %sign3A_951 = arith.constant 0 : i32
      %sign3A_952 = arith.cmpi slt, %jit3A_941, %sign3A_951 : i32
      %sign3A_953 = arith.extui %sign3A_952 : i1 to i32
      %sign3A_954 = arith.subi %sign3A_950, %sign3A_953 : i32
      %ne3A_955 = arith.cmpi ne, %sign3A_947, %sign3A_954 : i32
      %rem3A_956 = arith.remsi %scan3A_931, %jit3A_941 : i32
      %ne3A_957 = arith.constant 0 : i32
      %ne3A_958 = arith.cmpi ne, %rem3A_956, %ne3A_957 : i32
      %and3A_959 = arith.andi %ne3A_955, %ne3A_958 : i1
      %sub3A = arith.constant 1 : i32
      %sub3A_960 = arith.subi %div3A, %sub3A : i32
      %select_n3A_961 = arith.select %and3A_959, %sub3A_960, %div3A : i32
      %jit3A_962 = arith.constant 8 : i32
      %div3A_963 = arith.divsi %scan3A_931, %jit3A_962 : i32
      %sign3A_964 = arith.constant 0 : i32
      %sign3A_965 = arith.cmpi sgt, %scan3A_931, %sign3A_964 : i32
      %sign3A_966 = arith.extui %sign3A_965 : i1 to i32
      %sign3A_967 = arith.constant 0 : i32
      %sign3A_968 = arith.cmpi slt, %scan3A_931, %sign3A_967 : i32
      %sign3A_969 = arith.extui %sign3A_968 : i1 to i32
      %sign3A_970 = arith.subi %sign3A_966, %sign3A_969 : i32
      %sign3A_971 = arith.constant 0 : i32
      %sign3A_972 = arith.cmpi sgt, %jit3A_962, %sign3A_971 : i32
      %sign3A_973 = arith.extui %sign3A_972 : i1 to i32
      %sign3A_974 = arith.constant 0 : i32
      %sign3A_975 = arith.cmpi slt, %jit3A_962, %sign3A_974 : i32
      %sign3A_976 = arith.extui %sign3A_975 : i1 to i32
      %sign3A_977 = arith.subi %sign3A_973, %sign3A_976 : i32
      %ne3A_978 = arith.cmpi ne, %sign3A_970, %sign3A_977 : i32
      %rem3A_979 = arith.remsi %scan3A_931, %jit3A_962 : i32
      %ne3A_980 = arith.constant 0 : i32
      %ne3A_981 = arith.cmpi ne, %rem3A_979, %ne3A_980 : i32
      %and3A_982 = arith.andi %ne3A_978, %ne3A_981 : i1
      %sub3A_983 = arith.constant 1 : i32
      %sub3A_984 = arith.subi %div3A_963, %sub3A_983 : i32
      %select_n3A_985 = arith.select %and3A_982, %sub3A_984, %div3A_963 : i32
      %jit3A_986 = arith.constant 8 : i32
      %eq3A_987 = arith.constant 0 : i32
      %eq3A_988 = arith.cmpi eq, %jit3A_986, %eq3A_987 : i32
      %jit3A_989 = arith.constant 1 : i32
      %select_n3A_990 = arith.select %eq3A_988, %jit3A_989, %jit3A_986 : i32
      %rem3A_991 = arith.remsi %scan3A_931, %select_n3A_990 : i32
      %ne3A_992 = arith.constant 0 : i32
      %ne3A_993 = arith.cmpi ne, %rem3A_991, %ne3A_992 : i32
      %lt3A_994 = arith.constant 0 : i32
      %lt3A_995 = arith.cmpi slt, %rem3A_991, %lt3A_994 : i32
      %lt3A_996 = arith.constant 0 : i32
      %lt3A_997 = arith.cmpi slt, %select_n3A_990, %lt3A_996 : i32
      %ne3A_998 = arith.xori %lt3A_995, %lt3A_997 : i1
      %and3A_999 = arith.andi %ne3A_998, %ne3A_993 : i1
      %add3A_1000 = arith.addi %rem3A_991, %select_n3A_990 : i32
      %select_n3A_1001 = arith.select %and3A_999, %add3A_1000, %rem3A_991 : i32
      %mul3A = arith.constant 128 : i32
      %mul3A_1002 = arith.muli %select_n3A_1001, %mul3A : i32
      %jit3A_1003 = arith.constant 4 : i32
      %div3A_1004 = arith.divsi %select_n3A_985, %jit3A_1003 : i32
      %sign3A_1005 = arith.constant 0 : i32
      %sign3A_1006 = arith.cmpi sgt, %select_n3A_985, %sign3A_1005 : i32
      %sign3A_1007 = arith.extui %sign3A_1006 : i1 to i32
      %sign3A_1008 = arith.constant 0 : i32
      %sign3A_1009 = arith.cmpi slt, %select_n3A_985, %sign3A_1008 : i32
      %sign3A_1010 = arith.extui %sign3A_1009 : i1 to i32
      %sign3A_1011 = arith.subi %sign3A_1007, %sign3A_1010 : i32
      %sign3A_1012 = arith.constant 0 : i32
      %sign3A_1013 = arith.cmpi sgt, %jit3A_1003, %sign3A_1012 : i32
      %sign3A_1014 = arith.extui %sign3A_1013 : i1 to i32
      %sign3A_1015 = arith.constant 0 : i32
      %sign3A_1016 = arith.cmpi slt, %jit3A_1003, %sign3A_1015 : i32
      %sign3A_1017 = arith.extui %sign3A_1016 : i1 to i32
      %sign3A_1018 = arith.subi %sign3A_1014, %sign3A_1017 : i32
      %ne3A_1019 = arith.cmpi ne, %sign3A_1011, %sign3A_1018 : i32
      %rem3A_1020 = arith.remsi %select_n3A_985, %jit3A_1003 : i32
      %ne3A_1021 = arith.constant 0 : i32
      %ne3A_1022 = arith.cmpi ne, %rem3A_1020, %ne3A_1021 : i32
      %and3A_1023 = arith.andi %ne3A_1019, %ne3A_1022 : i1
      %sub3A_1024 = arith.constant 1 : i32
      %sub3A_1025 = arith.subi %div3A_1004, %sub3A_1024 : i32
      %select_n3A_1026 = arith.select %and3A_1023, %sub3A_1025, %div3A_1004 : i32
      %jit3A_1027 = arith.constant 4 : i32
      %eq3A_1028 = arith.constant 0 : i32
      %eq3A_1029 = arith.cmpi eq, %jit3A_1027, %eq3A_1028 : i32
      %jit3A_1030 = arith.constant 1 : i32
      %select_n3A_1031 = arith.select %eq3A_1029, %jit3A_1030, %jit3A_1027 : i32
      %rem3A_1032 = arith.remsi %select_n3A_985, %select_n3A_1031 : i32
      %ne3A_1033 = arith.constant 0 : i32
      %ne3A_1034 = arith.cmpi ne, %rem3A_1032, %ne3A_1033 : i32
      %lt3A_1035 = arith.constant 0 : i32
      %lt3A_1036 = arith.cmpi slt, %rem3A_1032, %lt3A_1035 : i32
      %lt3A_1037 = arith.constant 0 : i32
      %lt3A_1038 = arith.cmpi slt, %select_n3A_1031, %lt3A_1037 : i32
      %ne3A_1039 = arith.xori %lt3A_1036, %lt3A_1038 : i1
      %and3A_1040 = arith.andi %ne3A_1039, %ne3A_1034 : i1
      %add3A_1041 = arith.addi %rem3A_1032, %select_n3A_1031 : i32
      %select_n3A_1042 = arith.select %and3A_1040, %add3A_1041, %rem3A_1032 : i32
      %dma_wait3A_1043 = tpu.memref_slice %arg7[%select_n3A_940] : memref<32x!tpu.dma_semaphore, #tpu.memory_space<semaphore_mem>> -> memref<1x!tpu.dma_semaphore, #tpu.memory_space<semaphore_mem>>
      %dma_wait3A_1044 = tpu.memref_squeeze %dma_wait3A_1043 : memref<1x!tpu.dma_semaphore, #tpu.memory_space<semaphore_mem>> -> memref<!tpu.dma_semaphore, #tpu.memory_space<semaphore_mem>>
      %dma_wait3A_1045 = arith.constant 0 : i32
      %dma_wait3A_1046 = arith.constant 0 : i32
      %dma_wait3A_1047 = tpu.memref_slice %arg3[%select_n3A_940, %dma_wait3A_1045, %dma_wait3A_1046] : memref<32x128x1280xf32, #tpu.memory_space<vmem>> -> memref<1x128x1280xf32, #tpu.memory_space<vmem>>
      %dma_wait3A_1048 = tpu.memref_squeeze %dma_wait3A_1047 : memref<1x128x1280xf32, #tpu.memory_space<vmem>> -> memref<128x1280xf32, #tpu.memory_space<vmem>>
      %dma_wait3A_1049 = arith.constant 0 : i32
      %dma_wait3A_1050 = tpu.memref_slice %arg0[%select_n3A_1026, %select_n3A_1042, %mul3A_1002, %dma_wait3A_1049] : memref<8x4x1025x1280xf32, #tpu.memory_space<any>> -> memref<1x1x128x1280xf32, #tpu.memory_space<any>>
      %dma_wait3A_1051 = tpu.memref_squeeze %dma_wait3A_1050 : memref<1x1x128x1280xf32, #tpu.memory_space<any>> -> memref<128x1280xf32, #tpu.memory_space<any>>
      tpu.wait_dma2 semaphore(%dma_wait3A_1044 : memref<!tpu.dma_semaphore, #tpu.memory_space<semaphore_mem>>) src(%dma_wait3A_1051 : memref<128x1280xf32, #tpu.memory_space<any>>) dst(%dma_wait3A_1048 : memref<128x1280xf32, #tpu.memory_space<vmem>>)
      %ge3A = arith.constant 32 : i32
      %ge3A_1052 = arith.cmpi sge, %scan3A_931, %ge3A : i32
      %convert_element_type3A = arith.extui %ge3A_1052 : i1 to i32
      %cond3A = arith.constant 0 : i32
      %cond3A_1053 = arith.cmpi ne, %convert_element_type3A, %cond3A : i32
      scf.if %cond3A_1053 {
        %sub3A_1211 = arith.constant 32 : i32
        %sub3A_1212 = arith.subi %scan3A_931, %sub3A_1211 : i32
        %jit3A_1213 = arith.constant 8 : i32
        %div3A_1214 = arith.divsi %sub3A_1212, %jit3A_1213 : i32
        %sign3A_1215 = arith.constant 0 : i32
        %sign3A_1216 = arith.cmpi sgt, %sub3A_1212, %sign3A_1215 : i32
        %sign3A_1217 = arith.extui %sign3A_1216 : i1 to i32
        %sign3A_1218 = arith.constant 0 : i32
        %sign3A_1219 = arith.cmpi slt, %sub3A_1212, %sign3A_1218 : i32
        %sign3A_1220 = arith.extui %sign3A_1219 : i1 to i32
        %sign3A_1221 = arith.subi %sign3A_1217, %sign3A_1220 : i32
        %sign3A_1222 = arith.constant 0 : i32
        %sign3A_1223 = arith.cmpi sgt, %jit3A_1213, %sign3A_1222 : i32
        %sign3A_1224 = arith.extui %sign3A_1223 : i1 to i32
        %sign3A_1225 = arith.constant 0 : i32
        %sign3A_1226 = arith.cmpi slt, %jit3A_1213, %sign3A_1225 : i32
        %sign3A_1227 = arith.extui %sign3A_1226 : i1 to i32
        %sign3A_1228 = arith.subi %sign3A_1224, %sign3A_1227 : i32
        %ne3A_1229 = arith.cmpi ne, %sign3A_1221, %sign3A_1228 : i32
        %rem3A_1230 = arith.remsi %sub3A_1212, %jit3A_1213 : i32
        %ne3A_1231 = arith.constant 0 : i32
        %ne3A_1232 = arith.cmpi ne, %rem3A_1230, %ne3A_1231 : i32
        %and3A_1233 = arith.andi %ne3A_1229, %ne3A_1232 : i1
        %sub3A_1234 = arith.constant 1 : i32
        %sub3A_1235 = arith.subi %div3A_1214, %sub3A_1234 : i32
        %select_n3A_1236 = arith.select %and3A_1233, %sub3A_1235, %div3A_1214 : i32
        %jit3A_1237 = arith.constant 8 : i32
        %eq3A_1238 = arith.constant 0 : i32
        %eq3A_1239 = arith.cmpi eq, %jit3A_1237, %eq3A_1238 : i32
        %jit3A_1240 = arith.constant 1 : i32
        %select_n3A_1241 = arith.select %eq3A_1239, %jit3A_1240, %jit3A_1237 : i32
        %rem3A_1242 = arith.remsi %sub3A_1212, %select_n3A_1241 : i32
        %ne3A_1243 = arith.constant 0 : i32
        %ne3A_1244 = arith.cmpi ne, %rem3A_1242, %ne3A_1243 : i32
        %lt3A_1245 = arith.constant 0 : i32
        %lt3A_1246 = arith.cmpi slt, %rem3A_1242, %lt3A_1245 : i32
        %lt3A_1247 = arith.constant 0 : i32
        %lt3A_1248 = arith.cmpi slt, %select_n3A_1241, %lt3A_1247 : i32
        %ne3A_1249 = arith.xori %lt3A_1246, %lt3A_1248 : i1
        %and3A_1250 = arith.andi %ne3A_1249, %ne3A_1244 : i1
        %add3A_1251 = arith.addi %rem3A_1242, %select_n3A_1241 : i32
        %select_n3A_1252 = arith.select %and3A_1250, %add3A_1251, %rem3A_1242 : i32
        %mul3A_1253 = arith.constant 128 : i32
        %mul3A_1254 = arith.muli %select_n3A_1252, %mul3A_1253 : i32
        %jit3A_1255 = arith.constant 4 : i32
        %div3A_1256 = arith.divsi %select_n3A_1236, %jit3A_1255 : i32
        %sign3A_1257 = arith.constant 0 : i32
        %sign3A_1258 = arith.cmpi sgt, %select_n3A_1236, %sign3A_1257 : i32
        %sign3A_1259 = arith.extui %sign3A_1258 : i1 to i32
        %sign3A_1260 = arith.constant 0 : i32
        %sign3A_1261 = arith.cmpi slt, %select_n3A_1236, %sign3A_1260 : i32
        %sign3A_1262 = arith.extui %sign3A_1261 : i1 to i32
        %sign3A_1263 = arith.subi %sign3A_1259, %sign3A_1262 : i32
        %sign3A_1264 = arith.constant 0 : i32
        %sign3A_1265 = arith.cmpi sgt, %jit3A_1255, %sign3A_1264 : i32
        %sign3A_1266 = arith.extui %sign3A_1265 : i1 to i32
        %sign3A_1267 = arith.constant 0 : i32
        %sign3A_1268 = arith.cmpi slt, %jit3A_1255, %sign3A_1267 : i32
        %sign3A_1269 = arith.extui %sign3A_1268 : i1 to i32
        %sign3A_1270 = arith.subi %sign3A_1266, %sign3A_1269 : i32
        %ne3A_1271 = arith.cmpi ne, %sign3A_1263, %sign3A_1270 : i32
        %rem3A_1272 = arith.remsi %select_n3A_1236, %jit3A_1255 : i32
        %ne3A_1273 = arith.constant 0 : i32
        %ne3A_1274 = arith.cmpi ne, %rem3A_1272, %ne3A_1273 : i32
        %and3A_1275 = arith.andi %ne3A_1271, %ne3A_1274 : i1
        %sub3A_1276 = arith.constant 1 : i32
        %sub3A_1277 = arith.subi %div3A_1256, %sub3A_1276 : i32
        %select_n3A_1278 = arith.select %and3A_1275, %sub3A_1277, %div3A_1256 : i32
        %jit3A_1279 = arith.constant 4 : i32
        %eq3A_1280 = arith.constant 0 : i32
        %eq3A_1281 = arith.cmpi eq, %jit3A_1279, %eq3A_1280 : i32
        %jit3A_1282 = arith.constant 1 : i32
        %select_n3A_1283 = arith.select %eq3A_1281, %jit3A_1282, %jit3A_1279 : i32
        %rem3A_1284 = arith.remsi %select_n3A_1236, %select_n3A_1283 : i32
        %ne3A_1285 = arith.constant 0 : i32
        %ne3A_1286 = arith.cmpi ne, %rem3A_1284, %ne3A_1285 : i32
        %lt3A_1287 = arith.constant 0 : i32
        %lt3A_1288 = arith.cmpi slt, %rem3A_1284, %lt3A_1287 : i32
        %lt3A_1289 = arith.constant 0 : i32
        %lt3A_1290 = arith.cmpi slt, %select_n3A_1283, %lt3A_1289 : i32
        %ne3A_1291 = arith.xori %lt3A_1288, %lt3A_1290 : i1
        %and3A_1292 = arith.andi %ne3A_1291, %ne3A_1286 : i1
        %add3A_1293 = arith.addi %rem3A_1284, %select_n3A_1283 : i32
        %select_n3A_1294 = arith.select %and3A_1292, %add3A_1293, %rem3A_1284 : i32
        %dma_wait3A_1295 = tpu.memref_slice %arg8[%select_n3A_940] : memref<32x!tpu.dma_semaphore, #tpu.memory_space<semaphore_mem>> -> memref<1x!tpu.dma_semaphore, #tpu.memory_space<semaphore_mem>>
        %dma_wait3A_1296 = tpu.memref_squeeze %dma_wait3A_1295 : memref<1x!tpu.dma_semaphore, #tpu.memory_space<semaphore_mem>> -> memref<!tpu.dma_semaphore, #tpu.memory_space<semaphore_mem>>
        %dma_wait3A_1297 = arith.constant 0 : i32
        %dma_wait3A_1298 = tpu.memref_slice %arg2[%select_n3A_1278, %select_n3A_1294, %mul3A_1254, %dma_wait3A_1297] : memref<8x4x1025x1280xf32, #tpu.memory_space<any>> -> memref<1x1x128x1280xf32, #tpu.memory_space<any>>
        %dma_wait3A_1299 = tpu.memref_squeeze %dma_wait3A_1298 : memref<1x1x128x1280xf32, #tpu.memory_space<any>> -> memref<128x1280xf32, #tpu.memory_space<any>>
        %dma_wait3A_1300 = arith.constant 0 : i32
        %dma_wait3A_1301 = arith.constant 0 : i32
        %dma_wait3A_1302 = tpu.memref_slice %arg4[%select_n3A_940, %dma_wait3A_1300, %dma_wait3A_1301] : memref<32x128x1280xf32, #tpu.memory_space<vmem>> -> memref<1x128x1280xf32, #tpu.memory_space<vmem>>
        %dma_wait3A_1303 = tpu.memref_squeeze %dma_wait3A_1302 : memref<1x128x1280xf32, #tpu.memory_space<vmem>> -> memref<128x1280xf32, #tpu.memory_space<vmem>>
        tpu.wait_dma2 semaphore(%dma_wait3A_1296 : memref<!tpu.dma_semaphore, #tpu.memory_space<semaphore_mem>>) src(%dma_wait3A_1303 : memref<128x1280xf32, #tpu.memory_space<vmem>>) dst(%dma_wait3A_1299 : memref<128x1280xf32, #tpu.memory_space<any>>)
      } else {
      }
      %get3A_1054 = arith.index_cast %select_n3A_940 : i32 to index
      %get3A_1055 = arith.constant 0 : index
      %get3A_1056 = arith.constant 0 : index
      %get3A_1057 = vector.load %arg3[%get3A_1054, %get3A_1055, %get3A_1056] : memref<32x128x1280xf32, #tpu.memory_space<vmem>>, vector<1x128x1280xf32>
      %get3A_1058 = vector.shape_cast %get3A_1057 : vector<1x128x1280xf32> to vector<128x1280xf32>
      %jit3A_1059 = arith.constant 4 : i32
      %div3A_1060 = arith.divsi %select_n3A_961, %jit3A_1059 : i32
      %sign3A_1061 = arith.constant 0 : i32
      %sign3A_1062 = arith.cmpi sgt, %select_n3A_961, %sign3A_1061 : i32
      %sign3A_1063 = arith.extui %sign3A_1062 : i1 to i32
      %sign3A_1064 = arith.constant 0 : i32
      %sign3A_1065 = arith.cmpi slt, %select_n3A_961, %sign3A_1064 : i32
      %sign3A_1066 = arith.extui %sign3A_1065 : i1 to i32
      %sign3A_1067 = arith.subi %sign3A_1063, %sign3A_1066 : i32
      %sign3A_1068 = arith.constant 0 : i32
      %sign3A_1069 = arith.cmpi sgt, %jit3A_1059, %sign3A_1068 : i32
      %sign3A_1070 = arith.extui %sign3A_1069 : i1 to i32
      %sign3A_1071 = arith.constant 0 : i32
      %sign3A_1072 = arith.cmpi slt, %jit3A_1059, %sign3A_1071 : i32
      %sign3A_1073 = arith.extui %sign3A_1072 : i1 to i32
      %sign3A_1074 = arith.subi %sign3A_1070, %sign3A_1073 : i32
      %ne3A_1075 = arith.cmpi ne, %sign3A_1067, %sign3A_1074 : i32
      %rem3A_1076 = arith.remsi %select_n3A_961, %jit3A_1059 : i32
      %ne3A_1077 = arith.constant 0 : i32
      %ne3A_1078 = arith.cmpi ne, %rem3A_1076, %ne3A_1077 : i32
      %and3A_1079 = arith.andi %ne3A_1075, %ne3A_1078 : i1
      %sub3A_1080 = arith.constant 1 : i32
      %sub3A_1081 = arith.subi %div3A_1060, %sub3A_1080 : i32
      %select_n3A_1082 = arith.select %and3A_1079, %sub3A_1081, %div3A_1060 : i32
      %jit3A_1083 = arith.constant 4 : i32
      %eq3A_1084 = arith.constant 0 : i32
      %eq3A_1085 = arith.cmpi eq, %jit3A_1083, %eq3A_1084 : i32
      %jit3A_1086 = arith.constant 1 : i32
      %select_n3A_1087 = arith.select %eq3A_1085, %jit3A_1086, %jit3A_1083 : i32
      %rem3A_1088 = arith.remsi %select_n3A_961, %select_n3A_1087 : i32
      %ne3A_1089 = arith.constant 0 : i32
      %ne3A_1090 = arith.cmpi ne, %rem3A_1088, %ne3A_1089 : i32
      %lt3A_1091 = arith.constant 0 : i32
      %lt3A_1092 = arith.cmpi slt, %rem3A_1088, %lt3A_1091 : i32
      %lt3A_1093 = arith.constant 0 : i32
      %lt3A_1094 = arith.cmpi slt, %select_n3A_1087, %lt3A_1093 : i32
      %ne3A_1095 = arith.xori %lt3A_1092, %lt3A_1094 : i1
      %and3A_1096 = arith.andi %ne3A_1095, %ne3A_1090 : i1
      %add3A_1097 = arith.addi %rem3A_1088, %select_n3A_1087 : i32
      %select_n3A_1098 = arith.select %and3A_1096, %add3A_1097, %rem3A_1088 : i32
      %get3A_1099 = arith.index_cast %select_n3A_1082 : i32 to index
      %get3A_1100 = arith.index_cast %select_n3A_1098 : i32 to index
      %get3A_1101 = arith.constant 0 : index
      %get3A_1102 = arith.constant 0 : index
      %get3A_1103 = vector.load %arg1[%get3A_1099, %get3A_1100, %get3A_1101, %get3A_1102] : memref<8x4x1x1280xf32, #tpu.memory_space<vmem>>, vector<1x1x1x1280xf32>
      %get3A_1104 = vector.shape_cast %get3A_1103 : vector<1x1x1x1280xf32> to vector<1x1280xf32>
      %add3A_1105 = vector.broadcast %get3A_1104 : vector<1x1280xf32> to vector<128x1280xf32>
      %add3A_1106 = arith.addf %get3A_1058, %add3A_1105 : vector<128x1280xf32>
      %swap3A_1107 = arith.index_cast %select_n3A_940 : i32 to index
      %swap3A_1108 = arith.constant 0 : index
      %swap3A_1109 = arith.constant 0 : index
      %swap3A_1110 = vector.load %arg4[%swap3A_1107, %swap3A_1108, %swap3A_1109] : memref<32x128x1280xf32, #tpu.memory_space<vmem>>, vector<1x128x1280xf32>
      %swap3A_1111 = vector.shape_cast %swap3A_1110 : vector<1x128x1280xf32> to vector<128x1280xf32>
      %swap3A_1112 = vector.shape_cast %add3A_1106 : vector<128x1280xf32> to vector<1x128x1280xf32>
      tpu.vector_store %arg4[%swap3A_1107, %swap3A_1108, %swap3A_1109], %swap3A_1112 {strides = array<i32>} : memref<32x128x1280xf32, #tpu.memory_space<vmem>>, vector<1x128x1280xf32>,
      %jit3A_1113 = arith.constant 8 : i32
      %div3A_1114 = arith.divsi %scan3A_931, %jit3A_1113 : i32
      %sign3A_1115 = arith.constant 0 : i32
      %sign3A_1116 = arith.cmpi sgt, %scan3A_931, %sign3A_1115 : i32
      %sign3A_1117 = arith.extui %sign3A_1116 : i1 to i32
      %sign3A_1118 = arith.constant 0 : i32
      %sign3A_1119 = arith.cmpi slt, %scan3A_931, %sign3A_1118 : i32
      %sign3A_1120 = arith.extui %sign3A_1119 : i1 to i32
      %sign3A_1121 = arith.subi %sign3A_1117, %sign3A_1120 : i32
      %sign3A_1122 = arith.constant 0 : i32
      %sign3A_1123 = arith.cmpi sgt, %jit3A_1113, %sign3A_1122 : i32
      %sign3A_1124 = arith.extui %sign3A_1123 : i1 to i32
      %sign3A_1125 = arith.constant 0 : i32
      %sign3A_1126 = arith.cmpi slt, %jit3A_1113, %sign3A_1125 : i32
      %sign3A_1127 = arith.extui %sign3A_1126 : i1 to i32
      %sign3A_1128 = arith.subi %sign3A_1124, %sign3A_1127 : i32
      %ne3A_1129 = arith.cmpi ne, %sign3A_1121, %sign3A_1128 : i32
      %rem3A_1130 = arith.remsi %scan3A_931, %jit3A_1113 : i32
      %ne3A_1131 = arith.constant 0 : i32
      %ne3A_1132 = arith.cmpi ne, %rem3A_1130, %ne3A_1131 : i32
      %and3A_1133 = arith.andi %ne3A_1129, %ne3A_1132 : i1
      %sub3A_1134 = arith.constant 1 : i32
      %sub3A_1135 = arith.subi %div3A_1114, %sub3A_1134 : i32
      %select_n3A_1136 = arith.select %and3A_1133, %sub3A_1135, %div3A_1114 : i32
      %jit3A_1137 = arith.constant 8 : i32
      %eq3A_1138 = arith.constant 0 : i32
      %eq3A_1139 = arith.cmpi eq, %jit3A_1137, %eq3A_1138 : i32
      %jit3A_1140 = arith.constant 1 : i32
      %select_n3A_1141 = arith.select %eq3A_1139, %jit3A_1140, %jit3A_1137 : i32
      %rem3A_1142 = arith.remsi %scan3A_931, %select_n3A_1141 : i32
      %ne3A_1143 = arith.constant 0 : i32
      %ne3A_1144 = arith.cmpi ne, %rem3A_1142, %ne3A_1143 : i32
      %lt3A_1145 = arith.constant 0 : i32
      %lt3A_1146 = arith.cmpi slt, %rem3A_1142, %lt3A_1145 : i32
      %lt3A_1147 = arith.constant 0 : i32
      %lt3A_1148 = arith.cmpi slt, %select_n3A_1141, %lt3A_1147 : i32
      %ne3A_1149 = arith.xori %lt3A_1146, %lt3A_1148 : i1
      %and3A_1150 = arith.andi %ne3A_1149, %ne3A_1144 : i1
      %add3A_1151 = arith.addi %rem3A_1142, %select_n3A_1141 : i32
      %select_n3A_1152 = arith.select %and3A_1150, %add3A_1151, %rem3A_1142 : i32
      %mul3A_1153 = arith.constant 128 : i32
      %mul3A_1154 = arith.muli %select_n3A_1152, %mul3A_1153 : i32
      %jit3A_1155 = arith.constant 4 : i32
      %div3A_1156 = arith.divsi %select_n3A_1136, %jit3A_1155 : i32
      %sign3A_1157 = arith.constant 0 : i32
      %sign3A_1158 = arith.cmpi sgt, %select_n3A_1136, %sign3A_1157 : i32
      %sign3A_1159 = arith.extui %sign3A_1158 : i1 to i32
      %sign3A_1160 = arith.constant 0 : i32
      %sign3A_1161 = arith.cmpi slt, %select_n3A_1136, %sign3A_1160 : i32
      %sign3A_1162 = arith.extui %sign3A_1161 : i1 to i32
      %sign3A_1163 = arith.subi %sign3A_1159, %sign3A_1162 : i32
      %sign3A_1164 = arith.constant 0 : i32
      %sign3A_1165 = arith.cmpi sgt, %jit3A_1155, %sign3A_1164 : i32
      %sign3A_1166 = arith.extui %sign3A_1165 : i1 to i32
      %sign3A_1167 = arith.constant 0 : i32
      %sign3A_1168 = arith.cmpi slt, %jit3A_1155, %sign3A_1167 : i32
      %sign3A_1169 = arith.extui %sign3A_1168 : i1 to i32
      %sign3A_1170 = arith.subi %sign3A_1166, %sign3A_1169 : i32
      %ne3A_1171 = arith.cmpi ne, %sign3A_1163, %sign3A_1170 : i32
      %rem3A_1172 = arith.remsi %select_n3A_1136, %jit3A_1155 : i32
      %ne3A_1173 = arith.constant 0 : i32
      %ne3A_1174 = arith.cmpi ne, %rem3A_1172, %ne3A_1173 : i32
      %and3A_1175 = arith.andi %ne3A_1171, %ne3A_1174 : i1
      %sub3A_1176 = arith.constant 1 : i32
      %sub3A_1177 = arith.subi %div3A_1156, %sub3A_1176 : i32
      %select_n3A_1178 = arith.select %and3A_1175, %sub3A_1177, %div3A_1156 : i32
      %jit3A_1179 = arith.constant 4 : i32
      %eq3A_1180 = arith.constant 0 : i32
      %eq3A_1181 = arith.cmpi eq, %jit3A_1179, %eq3A_1180 : i32
      %jit3A_1182 = arith.constant 1 : i32
      %select_n3A_1183 = arith.select %eq3A_1181, %jit3A_1182, %jit3A_1179 : i32
      %rem3A_1184 = arith.remsi %select_n3A_1136, %select_n3A_1183 : i32
      %ne3A_1185 = arith.constant 0 : i32
      %ne3A_1186 = arith.cmpi ne, %rem3A_1184, %ne3A_1185 : i32
      %lt3A_1187 = arith.constant 0 : i32
      %lt3A_1188 = arith.cmpi slt, %rem3A_1184, %lt3A_1187 : i32
      %lt3A_1189 = arith.constant 0 : i32
      %lt3A_1190 = arith.cmpi slt, %select_n3A_1183, %lt3A_1189 : i32
      %ne3A_1191 = arith.xori %lt3A_1188, %lt3A_1190 : i1
      %and3A_1192 = arith.andi %ne3A_1191, %ne3A_1186 : i1
      %add3A_1193 = arith.addi %rem3A_1184, %select_n3A_1183 : i32
      %select_n3A_1194 = arith.select %and3A_1192, %add3A_1193, %rem3A_1184 : i32
      %dma_start3A_1195 = tpu.memref_slice %arg8[%select_n3A_940] : memref<32x!tpu.dma_semaphore, #tpu.memory_space<semaphore_mem>> -> memref<1x!tpu.dma_semaphore, #tpu.memory_space<semaphore_mem>>
      %dma_start3A_1196 = tpu.memref_squeeze %dma_start3A_1195 : memref<1x!tpu.dma_semaphore, #tpu.memory_space<semaphore_mem>> -> memref<!tpu.dma_semaphore, #tpu.memory_space<semaphore_mem>>
      %dma_start3A_1197 = arith.constant 0 : i32
      %dma_start3A_1198 = tpu.memref_slice %arg2[%select_n3A_1178, %select_n3A_1194, %mul3A_1154, %dma_start3A_1197] : memref<8x4x1025x1280xf32, #tpu.memory_space<any>> -> memref<1x1x128x1280xf32, #tpu.memory_space<any>>
      %dma_start3A_1199 = tpu.memref_squeeze %dma_start3A_1198 : memref<1x1x128x1280xf32, #tpu.memory_space<any>> -> memref<128x1280xf32, #tpu.memory_space<any>>
      %dma_start3A_1200 = arith.constant 0 : i32
      %dma_start3A_1201 = arith.constant 0 : i32
      %dma_start3A_1202 = tpu.memref_slice %arg4[%select_n3A_940, %dma_start3A_1200, %dma_start3A_1201] : memref<32x128x1280xf32, #tpu.memory_space<vmem>> -> memref<1x128x1280xf32, #tpu.memory_space<vmem>>
      %dma_start3A_1203 = tpu.memref_squeeze %dma_start3A_1202 : memref<1x128x1280xf32, #tpu.memory_space<vmem>> -> memref<128x1280xf32, #tpu.memory_space<vmem>>
      tpu.enqueue_dma source(%dma_start3A_1203 : memref<128x1280xf32, #tpu.memory_space<vmem>>) target(%dma_start3A_1199 : memref<128x1280xf32, #tpu.memory_space<any>>) target_semaphore(%dma_start3A_1196 : memref<!tpu.dma_semaphore, #tpu.memory_space<semaphore_mem>>)
      %add3A_1204 = arith.constant 32 : i32
      %add3A_1205 = arith.addi %scan3A_931, %add3A_1204 : i32
      %lt3A_1206 = arith.constant 256 : i32
      %lt3A_1207 = arith.cmpi slt, %add3A_1205, %lt3A_1206 : i32
      %convert_element_type3A_1208 = arith.extui %lt3A_1207 : i1 to i32
      %cond3A_1209 = arith.constant 0 : i32
      %cond3A_1210 = arith.cmpi ne, %convert_element_type3A_1208, %cond3A_1209 : i32
      scf.if %cond3A_1210 {
        %add3A_1211 = arith.constant 32 : i32
        %add3A_1212 = arith.addi %scan3A_931, %add3A_1211 : i32
        %jit3A_1213 = arith.constant 8 : i32
        %div3A_1214 = arith.divsi %add3A_1212, %jit3A_1213 : i32
        %sign3A_1215 = arith.constant 0 : i32
        %sign3A_1216 = arith.cmpi sgt, %add3A_1212, %sign3A_1215 : i32
        %sign3A_1217 = arith.extui %sign3A_1216 : i1 to i32
        %sign3A_1218 = arith.constant 0 : i32
        %sign3A_1219 = arith.cmpi slt, %add3A_1212, %sign3A_1218 : i32
        %sign3A_1220 = arith.extui %sign3A_1219 : i1 to i32
        %sign3A_1221 = arith.subi %sign3A_1217, %sign3A_1220 : i32
        %sign3A_1222 = arith.constant 0 : i32
        %sign3A_1223 = arith.cmpi sgt, %jit3A_1213, %sign3A_1222 : i32
        %sign3A_1224 = arith.extui %sign3A_1223 : i1 to i32
        %sign3A_1225 = arith.constant 0 : i32
        %sign3A_1226 = arith.cmpi slt, %jit3A_1213, %sign3A_1225 : i32
        %sign3A_1227 = arith.extui %sign3A_1226 : i1 to i32
        %sign3A_1228 = arith.subi %sign3A_1224, %sign3A_1227 : i32
        %ne3A_1229 = arith.cmpi ne, %sign3A_1221, %sign3A_1228 : i32
        %rem3A_1230 = arith.remsi %add3A_1212, %jit3A_1213 : i32
        %ne3A_1231 = arith.constant 0 : i32
        %ne3A_1232 = arith.cmpi ne, %rem3A_1230, %ne3A_1231 : i32
        %and3A_1233 = arith.andi %ne3A_1229, %ne3A_1232 : i1
        %sub3A_1234 = arith.constant 1 : i32
        %sub3A_1235 = arith.subi %div3A_1214, %sub3A_1234 : i32
        %select_n3A_1236 = arith.select %and3A_1233, %sub3A_1235, %div3A_1214 : i32
        %jit3A_1237 = arith.constant 8 : i32
        %eq3A_1238 = arith.constant 0 : i32
        %eq3A_1239 = arith.cmpi eq, %jit3A_1237, %eq3A_1238 : i32
        %jit3A_1240 = arith.constant 1 : i32
        %select_n3A_1241 = arith.select %eq3A_1239, %jit3A_1240, %jit3A_1237 : i32
        %rem3A_1242 = arith.remsi %add3A_1212, %select_n3A_1241 : i32
        %ne3A_1243 = arith.constant 0 : i32
        %ne3A_1244 = arith.cmpi ne, %rem3A_1242, %ne3A_1243 : i32
        %lt3A_1245 = arith.constant 0 : i32
        %lt3A_1246 = arith.cmpi slt, %rem3A_1242, %lt3A_1245 : i32
        %lt3A_1247 = arith.constant 0 : i32
        %lt3A_1248 = arith.cmpi slt, %select_n3A_1241, %lt3A_1247 : i32
        %ne3A_1249 = arith.xori %lt3A_1246, %lt3A_1248 : i1
        %and3A_1250 = arith.andi %ne3A_1249, %ne3A_1244 : i1
        %add3A_1251 = arith.addi %rem3A_1242, %select_n3A_1241 : i32
        %select_n3A_1252 = arith.select %and3A_1250, %add3A_1251, %rem3A_1242 : i32
        %mul3A_1253 = arith.constant 128 : i32
        %mul3A_1254 = arith.muli %select_n3A_1252, %mul3A_1253 : i32
        %jit3A_1255 = arith.constant 4 : i32
        %div3A_1256 = arith.divsi %select_n3A_1236, %jit3A_1255 : i32
        %sign3A_1257 = arith.constant 0 : i32
        %sign3A_1258 = arith.cmpi sgt, %select_n3A_1236, %sign3A_1257 : i32
        %sign3A_1259 = arith.extui %sign3A_1258 : i1 to i32
        %sign3A_1260 = arith.constant 0 : i32
        %sign3A_1261 = arith.cmpi slt, %select_n3A_1236, %sign3A_1260 : i32
        %sign3A_1262 = arith.extui %sign3A_1261 : i1 to i32
        %sign3A_1263 = arith.subi %sign3A_1259, %sign3A_1262 : i32
        %sign3A_1264 = arith.constant 0 : i32
        %sign3A_1265 = arith.cmpi sgt, %jit3A_1255, %sign3A_1264 : i32
        %sign3A_1266 = arith.extui %sign3A_1265 : i1 to i32
        %sign3A_1267 = arith.constant 0 : i32
        %sign3A_1268 = arith.cmpi slt, %jit3A_1255, %sign3A_1267 : i32
        %sign3A_1269 = arith.extui %sign3A_1268 : i1 to i32
        %sign3A_1270 = arith.subi %sign3A_1266, %sign3A_1269 : i32
        %ne3A_1271 = arith.cmpi ne, %sign3A_1263, %sign3A_1270 : i32
        %rem3A_1272 = arith.remsi %select_n3A_1236, %jit3A_1255 : i32
        %ne3A_1273 = arith.constant 0 : i32
        %ne3A_1274 = arith.cmpi ne, %rem3A_1272, %ne3A_1273 : i32
        %and3A_1275 = arith.andi %ne3A_1271, %ne3A_1274 : i1
        %sub3A_1276 = arith.constant 1 : i32
        %sub3A_1277 = arith.subi %div3A_1256, %sub3A_1276 : i32
        %select_n3A_1278 = arith.select %and3A_1275, %sub3A_1277, %div3A_1256 : i32
        %jit3A_1279 = arith.constant 4 : i32
        %eq3A_1280 = arith.constant 0 : i32
        %eq3A_1281 = arith.cmpi eq, %jit3A_1279, %eq3A_1280 : i32
        %jit3A_1282 = arith.constant 1 : i32
        %select_n3A_1283 = arith.select %eq3A_1281, %jit3A_1282, %jit3A_1279 : i32
        %rem3A_1284 = arith.remsi %select_n3A_1236, %select_n3A_1283 : i32
        %ne3A_1285 = arith.constant 0 : i32
        %ne3A_1286 = arith.cmpi ne, %rem3A_1284, %ne3A_1285 : i32
        %lt3A_1287 = arith.constant 0 : i32
        %lt3A_1288 = arith.cmpi slt, %rem3A_1284, %lt3A_1287 : i32
        %lt3A_1289 = arith.constant 0 : i32
        %lt3A_1290 = arith.cmpi slt, %select_n3A_1283, %lt3A_1289 : i32
        %ne3A_1291 = arith.xori %lt3A_1288, %lt3A_1290 : i1
        %and3A_1292 = arith.andi %ne3A_1291, %ne3A_1286 : i1
        %add3A_1293 = arith.addi %rem3A_1284, %select_n3A_1283 : i32
        %select_n3A_1294 = arith.select %and3A_1292, %add3A_1293, %rem3A_1284 : i32
        %dma_start3A_1295 = tpu.memref_slice %arg7[%select_n3A_940] : memref<32x!tpu.dma_semaphore, #tpu.memory_space<semaphore_mem>> -> memref<1x!tpu.dma_semaphore, #tpu.memory_space<semaphore_mem>>
        %dma_start3A_1296 = tpu.memref_squeeze %dma_start3A_1295 : memref<1x!tpu.dma_semaphore, #tpu.memory_space<semaphore_mem>> -> memref<!tpu.dma_semaphore, #tpu.memory_space<semaphore_mem>>
        %dma_start3A_1297 = arith.constant 0 : i32
        %dma_start3A_1298 = arith.constant 0 : i32
        %dma_start3A_1299 = tpu.memref_slice %arg3[%select_n3A_940, %dma_start3A_1297, %dma_start3A_1298] : memref<32x128x1280xf32, #tpu.memory_space<vmem>> -> memref<1x128x1280xf32, #tpu.memory_space<vmem>>
        %dma_start3A_1300 = tpu.memref_squeeze %dma_start3A_1299 : memref<1x128x1280xf32, #tpu.memory_space<vmem>> -> memref<128x1280xf32, #tpu.memory_space<vmem>>
        %dma_start3A_1301 = arith.constant 0 : i32
        %dma_start3A_1302 = tpu.memref_slice %arg0[%select_n3A_1278, %select_n3A_1294, %mul3A_1254, %dma_start3A_1301] : memref<8x4x1025x1280xf32, #tpu.memory_space<any>> -> memref<1x1x128x1280xf32, #tpu.memory_space<any>>
        %dma_start3A_1303 = tpu.memref_squeeze %dma_start3A_1302 : memref<1x1x128x1280xf32, #tpu.memory_space<any>> -> memref<128x1280xf32, #tpu.memory_space<any>>
        tpu.enqueue_dma source(%dma_start3A_1303 : memref<128x1280xf32, #tpu.memory_space<any>>) target(%dma_start3A_1300 : memref<128x1280xf32, #tpu.memory_space<vmem>>) target_semaphore(%dma_start3A_1296 : memref<!tpu.dma_semaphore, #tpu.memory_space<semaphore_mem>>)
      } else {
      }
    }
    %scan3A_455 = arith.constant 256 : i32
    %dma_wait3A = arith.constant 0 : i32
    %dma_wait3A_456 = arith.constant 0 : i32
    %dma_wait3A_457 = arith.constant 1024 : i32
    %dma_wait3A_458 = arith.constant 0 : i32
    %dma_wait3A_459 = tpu.memref_slice %arg0[%dma_wait3A, %dma_wait3A_456, %dma_wait3A_457, %dma_wait3A_458] : memref<8x4x1025x1280xf32, #tpu.memory_space<any>> -> memref<8x4x1x1280xf32, #tpu.memory_space<any>>
    tpu.wait_dma2 semaphore(%arg9 : memref<!tpu.dma_semaphore, #tpu.memory_space<semaphore_mem>>) src(%dma_wait3A_459 : memref<8x4x1x1280xf32, #tpu.memory_space<any>>) dst(%arg5 : memref<8x4x1x1280xf32, #tpu.memory_space<vmem>>)
    %get3A = arith.constant 0 : index
    %get3A_460 = arith.constant 0 : index
    %get3A_461 = arith.constant 0 : index
    %get3A_462 = arith.constant 0 : index
    %get3A_463 = vector.load %arg5[%get3A, %get3A_460, %get3A_461, %get3A_462] : memref<8x4x1x1280xf32, #tpu.memory_space<vmem>>, vector<8x4x1x1280xf32>
    %get3A_464 = arith.constant 0 : index
    %get3A_465 = arith.constant 0 : index
    %get3A_466 = arith.constant 0 : index
    %get3A_467 = arith.constant 0 : index
    %get3A_468 = vector.load %arg1[%get3A_464, %get3A_465, %get3A_466, %get3A_467] : memref<8x4x1x1280xf32, #tpu.memory_space<vmem>>, vector<8x4x1x1280xf32>
    %add3A = arith.addf %get3A_463, %get3A_468 : vector<8x4x1x1280xf32>
    %swap3A = arith.constant 0 : index
    %swap3A_469 = arith.constant 0 : index
    %swap3A_470 = arith.constant 0 : index
    %swap3A_471 = arith.constant 0 : index
    %swap3A_472 = vector.load %arg6[%swap3A, %swap3A_469, %swap3A_470, %swap3A_471] : memref<8x4x1x1280xf32, #tpu.memory_space<vmem>>, vector<8x4x1x1280xf32>
    tpu.vector_store %arg6[%swap3A, %swap3A_469, %swap3A_470, %swap3A_471], %add3A {strides = array<i32>} : memref<8x4x1x1280xf32, #tpu.memory_space<vmem>>, vector<8x4x1x1280xf32>,
    %dma_start3A_473 = arith.constant 0 : i32
    %dma_start3A_474 = arith.constant 0 : i32
    %dma_start3A_475 = arith.constant 1024 : i32
    %dma_start3A_476 = arith.constant 0 : i32
    %dma_start3A_477 = tpu.memref_slice %arg2[%dma_start3A_473, %dma_start3A_474, %dma_start3A_475, %dma_start3A_476] : memref<8x4x1025x1280xf32, #tpu.memory_space<any>> -> memref<8x4x1x1280xf32, #tpu.memory_space<any>>
    tpu.enqueue_dma source(%arg6 : memref<8x4x1x1280xf32, #tpu.memory_space<vmem>>) target(%dma_start3A_477 : memref<8x4x1x1280xf32, #tpu.memory_space<any>>) target_semaphore(%arg10 : memref<!tpu.dma_semaphore, #tpu.memory_space<semaphore_mem>>)
    %dma_wait3A_478 = arith.constant 0 : i32
    %dma_wait3A_479 = arith.constant 7 : i32
    %dma_wait3A_480 = arith.constant 0 : i32
    %dma_wait3A_481 = arith.constant 0 : i32
    %dma_wait3A_482 = tpu.memref_slice %arg8[%dma_wait3A_481] : memref<32x!tpu.dma_semaphore, #tpu.memory_space<semaphore_mem>> -> memref<1x!tpu.dma_semaphore, #tpu.memory_space<semaphore_mem>>
    %dma_wait3A_483 = tpu.memref_squeeze %dma_wait3A_482 : memref<1x!tpu.dma_semaphore, #tpu.memory_space<semaphore_mem>> -> memref<!tpu.dma_semaphore, #tpu.memory_space<semaphore_mem>>
    %dma_wait3A_484 = arith.constant 0 : i32
    %dma_wait3A_485 = arith.constant 0 : i32
    %dma_wait3A_486 = tpu.memref_slice %arg2[%dma_wait3A_479, %dma_wait3A_480, %dma_wait3A_484, %dma_wait3A_485] : memref<8x4x1025x1280xf32, #tpu.memory_space<any>> -> memref<1x1x128x1280xf32, #tpu.memory_space<any>>
    %dma_wait3A_487 = tpu.memref_squeeze %dma_wait3A_486 : memref<1x1x128x1280xf32, #tpu.memory_space<any>> -> memref<128x1280xf32, #tpu.memory_space<any>>
    %dma_wait3A_488 = arith.constant 0 : i32
    %dma_wait3A_489 = arith.constant 0 : i32
    %dma_wait3A_490 = tpu.memref_slice %arg4[%dma_wait3A_478, %dma_wait3A_488, %dma_wait3A_489] : memref<32x128x1280xf32, #tpu.memory_space<vmem>> -> memref<1x128x1280xf32, #tpu.memory_space<vmem>>
    %dma_wait3A_491 = tpu.memref_squeeze %dma_wait3A_490 : memref<1x128x1280xf32, #tpu.memory_space<vmem>> -> memref<128x1280xf32, #tpu.memory_space<vmem>>
    tpu.wait_dma2 semaphore(%dma_wait3A_483 : memref<!tpu.dma_semaphore, #tpu.memory_space<semaphore_mem>>) src(%dma_wait3A_491 : memref<128x1280xf32, #tpu.memory_space<vmem>>) dst(%dma_wait3A_487 : memref<128x1280xf32, #tpu.memory_space<any>>)
    %dma_wait3A_492 = arith.constant 1 : i32
    %dma_wait3A_493 = arith.constant 7 : i32
    %dma_wait3A_494 = arith.constant 0 : i32
    %dma_wait3A_495 = arith.constant 1 : i32
    %dma_wait3A_496 = tpu.memref_slice %arg8[%dma_wait3A_495] : memref<32x!tpu.dma_semaphore, #tpu.memory_space<semaphore_mem>> -> memref<1x!tpu.dma_semaphore, #tpu.memory_space<semaphore_mem>>
    %dma_wait3A_497 = tpu.memref_squeeze %dma_wait3A_496 : memref<1x!tpu.dma_semaphore, #tpu.memory_space<semaphore_mem>> -> memref<!tpu.dma_semaphore, #tpu.memory_space<semaphore_mem>>
    %dma_wait3A_498 = arith.constant 128 : i32
    %dma_wait3A_499 = arith.constant 0 : i32
    %dma_wait3A_500 = tpu.memref_slice %arg2[%dma_wait3A_493, %dma_wait3A_494, %dma_wait3A_498, %dma_wait3A_499] : memref<8x4x1025x1280xf32, #tpu.memory_space<any>> -> memref<1x1x128x1280xf32, #tpu.memory_space<any>>
    %dma_wait3A_501 = tpu.memref_squeeze %dma_wait3A_500 : memref<1x1x128x1280xf32, #tpu.memory_space<any>> -> memref<128x1280xf32, #tpu.memory_space<any>>
    %dma_wait3A_502 = arith.constant 0 : i32
    %dma_wait3A_503 = arith.constant 0 : i32
    %dma_wait3A_504 = tpu.memref_slice %arg4[%dma_wait3A_492, %dma_wait3A_502, %dma_wait3A_503] : memref<32x128x1280xf32, #tpu.memory_space<vmem>> -> memref<1x128x1280xf32, #tpu.memory_space<vmem>>
    %dma_wait3A_505 = tpu.memref_squeeze %dma_wait3A_504 : memref<1x128x1280xf32, #tpu.memory_space<vmem>> -> memref<128x1280xf32, #tpu.memory_space<vmem>>
    tpu.wait_dma2 semaphore(%dma_wait3A_497 : memref<!tpu.dma_semaphore, #tpu.memory_space<semaphore_mem>>) src(%dma_wait3A_505 : memref<128x1280xf32, #tpu.memory_space<vmem>>) dst(%dma_wait3A_501 : memref<128x1280xf32, #tpu.memory_space<any>>)
    %dma_wait3A_506 = arith.constant 2 : i32
    %dma_wait3A_507 = arith.constant 7 : i32
    %dma_wait3A_508 = arith.constant 0 : i32
    %dma_wait3A_509 = arith.constant 2 : i32
    %dma_wait3A_510 = tpu.memref_slice %arg8[%dma_wait3A_509] : memref<32x!tpu.dma_semaphore, #tpu.memory_space<semaphore_mem>> -> memref<1x!tpu.dma_semaphore, #tpu.memory_space<semaphore_mem>>
    %dma_wait3A_511 = tpu.memref_squeeze %dma_wait3A_510 : memref<1x!tpu.dma_semaphore, #tpu.memory_space<semaphore_mem>> -> memref<!tpu.dma_semaphore, #tpu.memory_space<semaphore_mem>>
    %dma_wait3A_512 = arith.constant 256 : i32
    %dma_wait3A_513 = arith.constant 0 : i32
    %dma_wait3A_514 = tpu.memref_slice %arg2[%dma_wait3A_507, %dma_wait3A_508, %dma_wait3A_512, %dma_wait3A_513] : memref<8x4x1025x1280xf32, #tpu.memory_space<any>> -> memref<1x1x128x1280xf32, #tpu.memory_space<any>>
    %dma_wait3A_515 = tpu.memref_squeeze %dma_wait3A_514 : memref<1x1x128x1280xf32, #tpu.memory_space<any>> -> memref<128x1280xf32, #tpu.memory_space<any>>
    %dma_wait3A_516 = arith.constant 0 : i32
    %dma_wait3A_517 = arith.constant 0 : i32
    %dma_wait3A_518 = tpu.memref_slice %arg4[%dma_wait3A_506, %dma_wait3A_516, %dma_wait3A_517] : memref<32x128x1280xf32, #tpu.memory_space<vmem>> -> memref<1x128x1280xf32, #tpu.memory_space<vmem>>
    %dma_wait3A_519 = tpu.memref_squeeze %dma_wait3A_518 : memref<1x128x1280xf32, #tpu.memory_space<vmem>> -> memref<128x1280xf32, #tpu.memory_space<vmem>>
    tpu.wait_dma2 semaphore(%dma_wait3A_511 : memref<!tpu.dma_semaphore, #tpu.memory_space<semaphore_mem>>) src(%dma_wait3A_519 : memref<128x1280xf32, #tpu.memory_space<vmem>>) dst(%dma_wait3A_515 : memref<128x1280xf32, #tpu.memory_space<any>>)
    %dma_wait3A_520 = arith.constant 3 : i32
    %dma_wait3A_521 = arith.constant 7 : i32
    %dma_wait3A_522 = arith.constant 0 : i32
    %dma_wait3A_523 = arith.constant 3 : i32
    %dma_wait3A_524 = tpu.memref_slice %arg8[%dma_wait3A_523] : memref<32x!tpu.dma_semaphore, #tpu.memory_space<semaphore_mem>> -> memref<1x!tpu.dma_semaphore, #tpu.memory_space<semaphore_mem>>
    %dma_wait3A_525 = tpu.memref_squeeze %dma_wait3A_524 : memref<1x!tpu.dma_semaphore, #tpu.memory_space<semaphore_mem>> -> memref<!tpu.dma_semaphore, #tpu.memory_space<semaphore_mem>>
    %dma_wait3A_526 = arith.constant 384 : i32
    %dma_wait3A_527 = arith.constant 0 : i32
    %dma_wait3A_528 = tpu.memref_slice %arg2[%dma_wait3A_521, %dma_wait3A_522, %dma_wait3A_526, %dma_wait3A_527] : memref<8x4x1025x1280xf32, #tpu.memory_space<any>> -> memref<1x1x128x1280xf32, #tpu.memory_space<any>>
    %dma_wait3A_529 = tpu.memref_squeeze %dma_wait3A_528 : memref<1x1x128x1280xf32, #tpu.memory_space<any>> -> memref<128x1280xf32, #tpu.memory_space<any>>
    %dma_wait3A_530 = arith.constant 0 : i32
    %dma_wait3A_531 = arith.constant 0 : i32
    %dma_wait3A_532 = tpu.memref_slice %arg4[%dma_wait3A_520, %dma_wait3A_530, %dma_wait3A_531] : memref<32x128x1280xf32, #tpu.memory_space<vmem>> -> memref<1x128x1280xf32, #tpu.memory_space<vmem>>
    %dma_wait3A_533 = tpu.memref_squeeze %dma_wait3A_532 : memref<1x128x1280xf32, #tpu.memory_space<vmem>> -> memref<128x1280xf32, #tpu.memory_space<vmem>>
    tpu.wait_dma2 semaphore(%dma_wait3A_525 : memref<!tpu.dma_semaphore, #tpu.memory_space<semaphore_mem>>) src(%dma_wait3A_533 : memref<128x1280xf32, #tpu.memory_space<vmem>>) dst(%dma_wait3A_529 : memref<128x1280xf32, #tpu.memory_space<any>>)
    %dma_wait3A_534 = arith.constant 4 : i32
    %dma_wait3A_535 = arith.constant 7 : i32
    %dma_wait3A_536 = arith.constant 0 : i32
    %dma_wait3A_537 = arith.constant 4 : i32
    %dma_wait3A_538 = tpu.memref_slice %arg8[%dma_wait3A_537] : memref<32x!tpu.dma_semaphore, #tpu.memory_space<semaphore_mem>> -> memref<1x!tpu.dma_semaphore, #tpu.memory_space<semaphore_mem>>
    %dma_wait3A_539 = tpu.memref_squeeze %dma_wait3A_538 : memref<1x!tpu.dma_semaphore, #tpu.memory_space<semaphore_mem>> -> memref<!tpu.dma_semaphore, #tpu.memory_space<semaphore_mem>>
    %dma_wait3A_540 = arith.constant 512 : i32
    %dma_wait3A_541 = arith.constant 0 : i32
    %dma_wait3A_542 = tpu.memref_slice %arg2[%dma_wait3A_535, %dma_wait3A_536, %dma_wait3A_540, %dma_wait3A_541] : memref<8x4x1025x1280xf32, #tpu.memory_space<any>> -> memref<1x1x128x1280xf32, #tpu.memory_space<any>>
    %dma_wait3A_543 = tpu.memref_squeeze %dma_wait3A_542 : memref<1x1x128x1280xf32, #tpu.memory_space<any>> -> memref<128x1280xf32, #tpu.memory_space<any>>
    %dma_wait3A_544 = arith.constant 0 : i32
    %dma_wait3A_545 = arith.constant 0 : i32
    %dma_wait3A_546 = tpu.memref_slice %arg4[%dma_wait3A_534, %dma_wait3A_544, %dma_wait3A_545] : memref<32x128x1280xf32, #tpu.memory_space<vmem>> -> memref<1x128x1280xf32, #tpu.memory_space<vmem>>
    %dma_wait3A_547 = tpu.memref_squeeze %dma_wait3A_546 : memref<1x128x1280xf32, #tpu.memory_space<vmem>> -> memref<128x1280xf32, #tpu.memory_space<vmem>>
    tpu.wait_dma2 semaphore(%dma_wait3A_539 : memref<!tpu.dma_semaphore, #tpu.memory_space<semaphore_mem>>) src(%dma_wait3A_547 : memref<128x1280xf32, #tpu.memory_space<vmem>>) dst(%dma_wait3A_543 : memref<128x1280xf32, #tpu.memory_space<any>>)
    %dma_wait3A_548 = arith.constant 5 : i32
    %dma_wait3A_549 = arith.constant 7 : i32
    %dma_wait3A_550 = arith.constant 0 : i32
    %dma_wait3A_551 = arith.constant 5 : i32
    %dma_wait3A_552 = tpu.memref_slice %arg8[%dma_wait3A_551] : memref<32x!tpu.dma_semaphore, #tpu.memory_space<semaphore_mem>> -> memref<1x!tpu.dma_semaphore, #tpu.memory_space<semaphore_mem>>
    %dma_wait3A_553 = tpu.memref_squeeze %dma_wait3A_552 : memref<1x!tpu.dma_semaphore, #tpu.memory_space<semaphore_mem>> -> memref<!tpu.dma_semaphore, #tpu.memory_space<semaphore_mem>>
    %dma_wait3A_554 = arith.constant 640 : i32
    %dma_wait3A_555 = arith.constant 0 : i32
    %dma_wait3A_556 = tpu.memref_slice %arg2[%dma_wait3A_549, %dma_wait3A_550, %dma_wait3A_554, %dma_wait3A_555] : memref<8x4x1025x1280xf32, #tpu.memory_space<any>> -> memref<1x1x128x1280xf32, #tpu.memory_space<any>>
    %dma_wait3A_557 = tpu.memref_squeeze %dma_wait3A_556 : memref<1x1x128x1280xf32, #tpu.memory_space<any>> -> memref<128x1280xf32, #tpu.memory_space<any>>
    %dma_wait3A_558 = arith.constant 0 : i32
    %dma_wait3A_559 = arith.constant 0 : i32
    %dma_wait3A_560 = tpu.memref_slice %arg4[%dma_wait3A_548, %dma_wait3A_558, %dma_wait3A_559] : memref<32x128x1280xf32, #tpu.memory_space<vmem>> -> memref<1x128x1280xf32, #tpu.memory_space<vmem>>
    %dma_wait3A_561 = tpu.memref_squeeze %dma_wait3A_560 : memref<1x128x1280xf32, #tpu.memory_space<vmem>> -> memref<128x1280xf32, #tpu.memory_space<vmem>>
    tpu.wait_dma2 semaphore(%dma_wait3A_553 : memref<!tpu.dma_semaphore, #tpu.memory_space<semaphore_mem>>) src(%dma_wait3A_561 : memref<128x1280xf32, #tpu.memory_space<vmem>>) dst(%dma_wait3A_557 : memref<128x1280xf32, #tpu.memory_space<any>>)
    %dma_wait3A_562 = arith.constant 6 : i32
    %dma_wait3A_563 = arith.constant 7 : i32
    %dma_wait3A_564 = arith.constant 0 : i32
    %dma_wait3A_565 = arith.constant 6 : i32
    %dma_wait3A_566 = tpu.memref_slice %arg8[%dma_wait3A_565] : memref<32x!tpu.dma_semaphore, #tpu.memory_space<semaphore_mem>> -> memref<1x!tpu.dma_semaphore, #tpu.memory_space<semaphore_mem>>
    %dma_wait3A_567 = tpu.memref_squeeze %dma_wait3A_566 : memref<1x!tpu.dma_semaphore, #tpu.memory_space<semaphore_mem>> -> memref<!tpu.dma_semaphore, #tpu.memory_space<semaphore_mem>>
    %dma_wait3A_568 = arith.constant 768 : i32
    %dma_wait3A_569 = arith.constant 0 : i32
    %dma_wait3A_570 = tpu.memref_slice %arg2[%dma_wait3A_563, %dma_wait3A_564, %dma_wait3A_568, %dma_wait3A_569] : memref<8x4x1025x1280xf32, #tpu.memory_space<any>> -> memref<1x1x128x1280xf32, #tpu.memory_space<any>>
    %dma_wait3A_571 = tpu.memref_squeeze %dma_wait3A_570 : memref<1x1x128x1280xf32, #tpu.memory_space<any>> -> memref<128x1280xf32, #tpu.memory_space<any>>
    %dma_wait3A_572 = arith.constant 0 : i32
    %dma_wait3A_573 = arith.constant 0 : i32
    %dma_wait3A_574 = tpu.memref_slice %arg4[%dma_wait3A_562, %dma_wait3A_572, %dma_wait3A_573] : memref<32x128x1280xf32, #tpu.memory_space<vmem>> -> memref<1x128x1280xf32, #tpu.memory_space<vmem>>
    %dma_wait3A_575 = tpu.memref_squeeze %dma_wait3A_574 : memref<1x128x1280xf32, #tpu.memory_space<vmem>> -> memref<128x1280xf32, #tpu.memory_space<vmem>>
    tpu.wait_dma2 semaphore(%dma_wait3A_567 : memref<!tpu.dma_semaphore, #tpu.memory_space<semaphore_mem>>) src(%dma_wait3A_575 : memref<128x1280xf32, #tpu.memory_space<vmem>>) dst(%dma_wait3A_571 : memref<128x1280xf32, #tpu.memory_space<any>>)
    %dma_wait3A_576 = arith.constant 7 : i32
    %dma_wait3A_577 = arith.constant 7 : i32
    %dma_wait3A_578 = arith.constant 0 : i32
    %dma_wait3A_579 = arith.constant 7 : i32
    %dma_wait3A_580 = tpu.memref_slice %arg8[%dma_wait3A_579] : memref<32x!tpu.dma_semaphore, #tpu.memory_space<semaphore_mem>> -> memref<1x!tpu.dma_semaphore, #tpu.memory_space<semaphore_mem>>
    %dma_wait3A_581 = tpu.memref_squeeze %dma_wait3A_580 : memref<1x!tpu.dma_semaphore, #tpu.memory_space<semaphore_mem>> -> memref<!tpu.dma_semaphore, #tpu.memory_space<semaphore_mem>>
    %dma_wait3A_582 = arith.constant 896 : i32
    %dma_wait3A_583 = arith.constant 0 : i32
    %dma_wait3A_584 = tpu.memref_slice %arg2[%dma_wait3A_577, %dma_wait3A_578, %dma_wait3A_582, %dma_wait3A_583] : memref<8x4x1025x1280xf32, #tpu.memory_space<any>> -> memref<1x1x128x1280xf32, #tpu.memory_space<any>>
    %dma_wait3A_585 = tpu.memref_squeeze %dma_wait3A_584 : memref<1x1x128x1280xf32, #tpu.memory_space<any>> -> memref<128x1280xf32, #tpu.memory_space<any>>
    %dma_wait3A_586 = arith.constant 0 : i32
    %dma_wait3A_587 = arith.constant 0 : i32
    %dma_wait3A_588 = tpu.memref_slice %arg4[%dma_wait3A_576, %dma_wait3A_586, %dma_wait3A_587] : memref<32x128x1280xf32, #tpu.memory_space<vmem>> -> memref<1x128x1280xf32, #tpu.memory_space<vmem>>
    %dma_wait3A_589 = tpu.memref_squeeze %dma_wait3A_588 : memref<1x128x1280xf32, #tpu.memory_space<vmem>> -> memref<128x1280xf32, #tpu.memory_space<vmem>>
    tpu.wait_dma2 semaphore(%dma_wait3A_581 : memref<!tpu.dma_semaphore, #tpu.memory_space<semaphore_mem>>) src(%dma_wait3A_589 : memref<128x1280xf32, #tpu.memory_space<vmem>>) dst(%dma_wait3A_585 : memref<128x1280xf32, #tpu.memory_space<any>>)
    %dma_wait3A_590 = arith.constant 8 : i32
    %dma_wait3A_591 = arith.constant 7 : i32
    %dma_wait3A_592 = arith.constant 1 : i32
    %dma_wait3A_593 = arith.constant 8 : i32
    %dma_wait3A_594 = tpu.memref_slice %arg8[%dma_wait3A_593] : memref<32x!tpu.dma_semaphore, #tpu.memory_space<semaphore_mem>> -> memref<1x!tpu.dma_semaphore, #tpu.memory_space<semaphore_mem>>
    %dma_wait3A_595 = tpu.memref_squeeze %dma_wait3A_594 : memref<1x!tpu.dma_semaphore, #tpu.memory_space<semaphore_mem>> -> memref<!tpu.dma_semaphore, #tpu.memory_space<semaphore_mem>>
    %dma_wait3A_596 = arith.constant 0 : i32
    %dma_wait3A_597 = arith.constant 0 : i32
    %dma_wait3A_598 = tpu.memref_slice %arg2[%dma_wait3A_591, %dma_wait3A_592, %dma_wait3A_596, %dma_wait3A_597] : memref<8x4x1025x1280xf32, #tpu.memory_space<any>> -> memref<1x1x128x1280xf32, #tpu.memory_space<any>>
    %dma_wait3A_599 = tpu.memref_squeeze %dma_wait3A_598 : memref<1x1x128x1280xf32, #tpu.memory_space<any>> -> memref<128x1280xf32, #tpu.memory_space<any>>
    %dma_wait3A_600 = arith.constant 0 : i32
    %dma_wait3A_601 = arith.constant 0 : i32
    %dma_wait3A_602 = tpu.memref_slice %arg4[%dma_wait3A_590, %dma_wait3A_600, %dma_wait3A_601] : memref<32x128x1280xf32, #tpu.memory_space<vmem>> -> memref<1x128x1280xf32, #tpu.memory_space<vmem>>
    %dma_wait3A_603 = tpu.memref_squeeze %dma_wait3A_602 : memref<1x128x1280xf32, #tpu.memory_space<vmem>> -> memref<128x1280xf32, #tpu.memory_space<vmem>>
    tpu.wait_dma2 semaphore(%dma_wait3A_595 : memref<!tpu.dma_semaphore, #tpu.memory_space<semaphore_mem>>) src(%dma_wait3A_603 : memref<128x1280xf32, #tpu.memory_space<vmem>>) dst(%dma_wait3A_599 : memref<128x1280xf32, #tpu.memory_space<any>>)
    %dma_wait3A_604 = arith.constant 9 : i32
    %dma_wait3A_605 = arith.constant 7 : i32
    %dma_wait3A_606 = arith.constant 1 : i32
    %dma_wait3A_607 = arith.constant 9 : i32
    %dma_wait3A_608 = tpu.memref_slice %arg8[%dma_wait3A_607] : memref<32x!tpu.dma_semaphore, #tpu.memory_space<semaphore_mem>> -> memref<1x!tpu.dma_semaphore, #tpu.memory_space<semaphore_mem>>
    %dma_wait3A_609 = tpu.memref_squeeze %dma_wait3A_608 : memref<1x!tpu.dma_semaphore, #tpu.memory_space<semaphore_mem>> -> memref<!tpu.dma_semaphore, #tpu.memory_space<semaphore_mem>>
    %dma_wait3A_610 = arith.constant 128 : i32
    %dma_wait3A_611 = arith.constant 0 : i32
    %dma_wait3A_612 = tpu.memref_slice %arg2[%dma_wait3A_605, %dma_wait3A_606, %dma_wait3A_610, %dma_wait3A_611] : memref<8x4x1025x1280xf32, #tpu.memory_space<any>> -> memref<1x1x128x1280xf32, #tpu.memory_space<any>>
    %dma_wait3A_613 = tpu.memref_squeeze %dma_wait3A_612 : memref<1x1x128x1280xf32, #tpu.memory_space<any>> -> memref<128x1280xf32, #tpu.memory_space<any>>
    %dma_wait3A_614 = arith.constant 0 : i32
    %dma_wait3A_615 = arith.constant 0 : i32
    %dma_wait3A_616 = tpu.memref_slice %arg4[%dma_wait3A_604, %dma_wait3A_614, %dma_wait3A_615] : memref<32x128x1280xf32, #tpu.memory_space<vmem>> -> memref<1x128x1280xf32, #tpu.memory_space<vmem>>
    %dma_wait3A_617 = tpu.memref_squeeze %dma_wait3A_616 : memref<1x128x1280xf32, #tpu.memory_space<vmem>> -> memref<128x1280xf32, #tpu.memory_space<vmem>>
    tpu.wait_dma2 semaphore(%dma_wait3A_609 : memref<!tpu.dma_semaphore, #tpu.memory_space<semaphore_mem>>) src(%dma_wait3A_617 : memref<128x1280xf32, #tpu.memory_space<vmem>>) dst(%dma_wait3A_613 : memref<128x1280xf32, #tpu.memory_space<any>>)
    %dma_wait3A_618 = arith.constant 10 : i32
    %dma_wait3A_619 = arith.constant 7 : i32
    %dma_wait3A_620 = arith.constant 1 : i32
    %dma_wait3A_621 = arith.constant 10 : i32
    %dma_wait3A_622 = tpu.memref_slice %arg8[%dma_wait3A_621] : memref<32x!tpu.dma_semaphore, #tpu.memory_space<semaphore_mem>> -> memref<1x!tpu.dma_semaphore, #tpu.memory_space<semaphore_mem>>
    %dma_wait3A_623 = tpu.memref_squeeze %dma_wait3A_622 : memref<1x!tpu.dma_semaphore, #tpu.memory_space<semaphore_mem>> -> memref<!tpu.dma_semaphore, #tpu.memory_space<semaphore_mem>>
    %dma_wait3A_624 = arith.constant 256 : i32
    %dma_wait3A_625 = arith.constant 0 : i32
    %dma_wait3A_626 = tpu.memref_slice %arg2[%dma_wait3A_619, %dma_wait3A_620, %dma_wait3A_624, %dma_wait3A_625] : memref<8x4x1025x1280xf32, #tpu.memory_space<any>> -> memref<1x1x128x1280xf32, #tpu.memory_space<any>>
    %dma_wait3A_627 = tpu.memref_squeeze %dma_wait3A_626 : memref<1x1x128x1280xf32, #tpu.memory_space<any>> -> memref<128x1280xf32, #tpu.memory_space<any>>
    %dma_wait3A_628 = arith.constant 0 : i32
    %dma_wait3A_629 = arith.constant 0 : i32
    %dma_wait3A_630 = tpu.memref_slice %arg4[%dma_wait3A_618, %dma_wait3A_628, %dma_wait3A_629] : memref<32x128x1280xf32, #tpu.memory_space<vmem>> -> memref<1x128x1280xf32, #tpu.memory_space<vmem>>
    %dma_wait3A_631 = tpu.memref_squeeze %dma_wait3A_630 : memref<1x128x1280xf32, #tpu.memory_space<vmem>> -> memref<128x1280xf32, #tpu.memory_space<vmem>>
    tpu.wait_dma2 semaphore(%dma_wait3A_623 : memref<!tpu.dma_semaphore, #tpu.memory_space<semaphore_mem>>) src(%dma_wait3A_631 : memref<128x1280xf32, #tpu.memory_space<vmem>>) dst(%dma_wait3A_627 : memref<128x1280xf32, #tpu.memory_space<any>>)
    %dma_wait3A_632 = arith.constant 11 : i32
    %dma_wait3A_633 = arith.constant 7 : i32
    %dma_wait3A_634 = arith.constant 1 : i32
    %dma_wait3A_635 = arith.constant 11 : i32
    %dma_wait3A_636 = tpu.memref_slice %arg8[%dma_wait3A_635] : memref<32x!tpu.dma_semaphore, #tpu.memory_space<semaphore_mem>> -> memref<1x!tpu.dma_semaphore, #tpu.memory_space<semaphore_mem>>
    %dma_wait3A_637 = tpu.memref_squeeze %dma_wait3A_636 : memref<1x!tpu.dma_semaphore, #tpu.memory_space<semaphore_mem>> -> memref<!tpu.dma_semaphore, #tpu.memory_space<semaphore_mem>>
    %dma_wait3A_638 = arith.constant 384 : i32
    %dma_wait3A_639 = arith.constant 0 : i32
    %dma_wait3A_640 = tpu.memref_slice %arg2[%dma_wait3A_633, %dma_wait3A_634, %dma_wait3A_638, %dma_wait3A_639] : memref<8x4x1025x1280xf32, #tpu.memory_space<any>> -> memref<1x1x128x1280xf32, #tpu.memory_space<any>>
    %dma_wait3A_641 = tpu.memref_squeeze %dma_wait3A_640 : memref<1x1x128x1280xf32, #tpu.memory_space<any>> -> memref<128x1280xf32, #tpu.memory_space<any>>
    %dma_wait3A_642 = arith.constant 0 : i32
    %dma_wait3A_643 = arith.constant 0 : i32
    %dma_wait3A_644 = tpu.memref_slice %arg4[%dma_wait3A_632, %dma_wait3A_642, %dma_wait3A_643] : memref<32x128x1280xf32, #tpu.memory_space<vmem>> -> memref<1x128x1280xf32, #tpu.memory_space<vmem>>
    %dma_wait3A_645 = tpu.memref_squeeze %dma_wait3A_644 : memref<1x128x1280xf32, #tpu.memory_space<vmem>> -> memref<128x1280xf32, #tpu.memory_space<vmem>>
    tpu.wait_dma2 semaphore(%dma_wait3A_637 : memref<!tpu.dma_semaphore, #tpu.memory_space<semaphore_mem>>) src(%dma_wait3A_645 : memref<128x1280xf32, #tpu.memory_space<vmem>>) dst(%dma_wait3A_641 : memref<128x1280xf32, #tpu.memory_space<any>>)
    %dma_wait3A_646 = arith.constant 12 : i32
    %dma_wait3A_647 = arith.constant 7 : i32
    %dma_wait3A_648 = arith.constant 1 : i32
    %dma_wait3A_649 = arith.constant 12 : i32
    %dma_wait3A_650 = tpu.memref_slice %arg8[%dma_wait3A_649] : memref<32x!tpu.dma_semaphore, #tpu.memory_space<semaphore_mem>> -> memref<1x!tpu.dma_semaphore, #tpu.memory_space<semaphore_mem>>
    %dma_wait3A_651 = tpu.memref_squeeze %dma_wait3A_650 : memref<1x!tpu.dma_semaphore, #tpu.memory_space<semaphore_mem>> -> memref<!tpu.dma_semaphore, #tpu.memory_space<semaphore_mem>>
    %dma_wait3A_652 = arith.constant 512 : i32
    %dma_wait3A_653 = arith.constant 0 : i32
    %dma_wait3A_654 = tpu.memref_slice %arg2[%dma_wait3A_647, %dma_wait3A_648, %dma_wait3A_652, %dma_wait3A_653] : memref<8x4x1025x1280xf32, #tpu.memory_space<any>> -> memref<1x1x128x1280xf32, #tpu.memory_space<any>>
    %dma_wait3A_655 = tpu.memref_squeeze %dma_wait3A_654 : memref<1x1x128x1280xf32, #tpu.memory_space<any>> -> memref<128x1280xf32, #tpu.memory_space<any>>
    %dma_wait3A_656 = arith.constant 0 : i32
    %dma_wait3A_657 = arith.constant 0 : i32
    %dma_wait3A_658 = tpu.memref_slice %arg4[%dma_wait3A_646, %dma_wait3A_656, %dma_wait3A_657] : memref<32x128x1280xf32, #tpu.memory_space<vmem>> -> memref<1x128x1280xf32, #tpu.memory_space<vmem>>
    %dma_wait3A_659 = tpu.memref_squeeze %dma_wait3A_658 : memref<1x128x1280xf32, #tpu.memory_space<vmem>> -> memref<128x1280xf32, #tpu.memory_space<vmem>>
    tpu.wait_dma2 semaphore(%dma_wait3A_651 : memref<!tpu.dma_semaphore, #tpu.memory_space<semaphore_mem>>) src(%dma_wait3A_659 : memref<128x1280xf32, #tpu.memory_space<vmem>>) dst(%dma_wait3A_655 : memref<128x1280xf32, #tpu.memory_space<any>>)
    %dma_wait3A_660 = arith.constant 13 : i32
    %dma_wait3A_661 = arith.constant 7 : i32
    %dma_wait3A_662 = arith.constant 1 : i32
    %dma_wait3A_663 = arith.constant 13 : i32
    %dma_wait3A_664 = tpu.memref_slice %arg8[%dma_wait3A_663] : memref<32x!tpu.dma_semaphore, #tpu.memory_space<semaphore_mem>> -> memref<1x!tpu.dma_semaphore, #tpu.memory_space<semaphore_mem>>
    %dma_wait3A_665 = tpu.memref_squeeze %dma_wait3A_664 : memref<1x!tpu.dma_semaphore, #tpu.memory_space<semaphore_mem>> -> memref<!tpu.dma_semaphore, #tpu.memory_space<semaphore_mem>>
    %dma_wait3A_666 = arith.constant 640 : i32
    %dma_wait3A_667 = arith.constant 0 : i32
    %dma_wait3A_668 = tpu.memref_slice %arg2[%dma_wait3A_661, %dma_wait3A_662, %dma_wait3A_666, %dma_wait3A_667] : memref<8x4x1025x1280xf32, #tpu.memory_space<any>> -> memref<1x1x128x1280xf32, #tpu.memory_space<any>>
    %dma_wait3A_669 = tpu.memref_squeeze %dma_wait3A_668 : memref<1x1x128x1280xf32, #tpu.memory_space<any>> -> memref<128x1280xf32, #tpu.memory_space<any>>
    %dma_wait3A_670 = arith.constant 0 : i32
    %dma_wait3A_671 = arith.constant 0 : i32
    %dma_wait3A_672 = tpu.memref_slice %arg4[%dma_wait3A_660, %dma_wait3A_670, %dma_wait3A_671] : memref<32x128x1280xf32, #tpu.memory_space<vmem>> -> memref<1x128x1280xf32, #tpu.memory_space<vmem>>
    %dma_wait3A_673 = tpu.memref_squeeze %dma_wait3A_672 : memref<1x128x1280xf32, #tpu.memory_space<vmem>> -> memref<128x1280xf32, #tpu.memory_space<vmem>>
    tpu.wait_dma2 semaphore(%dma_wait3A_665 : memref<!tpu.dma_semaphore, #tpu.memory_space<semaphore_mem>>) src(%dma_wait3A_673 : memref<128x1280xf32, #tpu.memory_space<vmem>>) dst(%dma_wait3A_669 : memref<128x1280xf32, #tpu.memory_space<any>>)
    %dma_wait3A_674 = arith.constant 14 : i32
    %dma_wait3A_675 = arith.constant 7 : i32
    %dma_wait3A_676 = arith.constant 1 : i32
    %dma_wait3A_677 = arith.constant 14 : i32
    %dma_wait3A_678 = tpu.memref_slice %arg8[%dma_wait3A_677] : memref<32x!tpu.dma_semaphore, #tpu.memory_space<semaphore_mem>> -> memref<1x!tpu.dma_semaphore, #tpu.memory_space<semaphore_mem>>
    %dma_wait3A_679 = tpu.memref_squeeze %dma_wait3A_678 : memref<1x!tpu.dma_semaphore, #tpu.memory_space<semaphore_mem>> -> memref<!tpu.dma_semaphore, #tpu.memory_space<semaphore_mem>>
    %dma_wait3A_680 = arith.constant 768 : i32
    %dma_wait3A_681 = arith.constant 0 : i32
    %dma_wait3A_682 = tpu.memref_slice %arg2[%dma_wait3A_675, %dma_wait3A_676, %dma_wait3A_680, %dma_wait3A_681] : memref<8x4x1025x1280xf32, #tpu.memory_space<any>> -> memref<1x1x128x1280xf32, #tpu.memory_space<any>>
    %dma_wait3A_683 = tpu.memref_squeeze %dma_wait3A_682 : memref<1x1x128x1280xf32, #tpu.memory_space<any>> -> memref<128x1280xf32, #tpu.memory_space<any>>
    %dma_wait3A_684 = arith.constant 0 : i32
    %dma_wait3A_685 = arith.constant 0 : i32
    %dma_wait3A_686 = tpu.memref_slice %arg4[%dma_wait3A_674, %dma_wait3A_684, %dma_wait3A_685] : memref<32x128x1280xf32, #tpu.memory_space<vmem>> -> memref<1x128x1280xf32, #tpu.memory_space<vmem>>
    %dma_wait3A_687 = tpu.memref_squeeze %dma_wait3A_686 : memref<1x128x1280xf32, #tpu.memory_space<vmem>> -> memref<128x1280xf32, #tpu.memory_space<vmem>>
    tpu.wait_dma2 semaphore(%dma_wait3A_679 : memref<!tpu.dma_semaphore, #tpu.memory_space<semaphore_mem>>) src(%dma_wait3A_687 : memref<128x1280xf32, #tpu.memory_space<vmem>>) dst(%dma_wait3A_683 : memref<128x1280xf32, #tpu.memory_space<any>>)
    %dma_wait3A_688 = arith.constant 15 : i32
    %dma_wait3A_689 = arith.constant 7 : i32
    %dma_wait3A_690 = arith.constant 1 : i32
    %dma_wait3A_691 = arith.constant 15 : i32
    %dma_wait3A_692 = tpu.memref_slice %arg8[%dma_wait3A_691] : memref<32x!tpu.dma_semaphore, #tpu.memory_space<semaphore_mem>> -> memref<1x!tpu.dma_semaphore, #tpu.memory_space<semaphore_mem>>
    %dma_wait3A_693 = tpu.memref_squeeze %dma_wait3A_692 : memref<1x!tpu.dma_semaphore, #tpu.memory_space<semaphore_mem>> -> memref<!tpu.dma_semaphore, #tpu.memory_space<semaphore_mem>>
    %dma_wait3A_694 = arith.constant 896 : i32
    %dma_wait3A_695 = arith.constant 0 : i32
    %dma_wait3A_696 = tpu.memref_slice %arg2[%dma_wait3A_689, %dma_wait3A_690, %dma_wait3A_694, %dma_wait3A_695] : memref<8x4x1025x1280xf32, #tpu.memory_space<any>> -> memref<1x1x128x1280xf32, #tpu.memory_space<any>>
    %dma_wait3A_697 = tpu.memref_squeeze %dma_wait3A_696 : memref<1x1x128x1280xf32, #tpu.memory_space<any>> -> memref<128x1280xf32, #tpu.memory_space<any>>
    %dma_wait3A_698 = arith.constant 0 : i32
    %dma_wait3A_699 = arith.constant 0 : i32
    %dma_wait3A_700 = tpu.memref_slice %arg4[%dma_wait3A_688, %dma_wait3A_698, %dma_wait3A_699] : memref<32x128x1280xf32, #tpu.memory_space<vmem>> -> memref<1x128x1280xf32, #tpu.memory_space<vmem>>
    %dma_wait3A_701 = tpu.memref_squeeze %dma_wait3A_700 : memref<1x128x1280xf32, #tpu.memory_space<vmem>> -> memref<128x1280xf32, #tpu.memory_space<vmem>>
    tpu.wait_dma2 semaphore(%dma_wait3A_693 : memref<!tpu.dma_semaphore, #tpu.memory_space<semaphore_mem>>) src(%dma_wait3A_701 : memref<128x1280xf32, #tpu.memory_space<vmem>>) dst(%dma_wait3A_697 : memref<128x1280xf32, #tpu.memory_space<any>>)
    %dma_wait3A_702 = arith.constant 16 : i32
    %dma_wait3A_703 = arith.constant 7 : i32
    %dma_wait3A_704 = arith.constant 2 : i32
    %dma_wait3A_705 = arith.constant 16 : i32
    %dma_wait3A_706 = tpu.memref_slice %arg8[%dma_wait3A_705] : memref<32x!tpu.dma_semaphore, #tpu.memory_space<semaphore_mem>> -> memref<1x!tpu.dma_semaphore, #tpu.memory_space<semaphore_mem>>
    %dma_wait3A_707 = tpu.memref_squeeze %dma_wait3A_706 : memref<1x!tpu.dma_semaphore, #tpu.memory_space<semaphore_mem>> -> memref<!tpu.dma_semaphore, #tpu.memory_space<semaphore_mem>>
    %dma_wait3A_708 = arith.constant 0 : i32
    %dma_wait3A_709 = arith.constant 0 : i32
    %dma_wait3A_710 = tpu.memref_slice %arg2[%dma_wait3A_703, %dma_wait3A_704, %dma_wait3A_708, %dma_wait3A_709] : memref<8x4x1025x1280xf32, #tpu.memory_space<any>> -> memref<1x1x128x1280xf32, #tpu.memory_space<any>>
    %dma_wait3A_711 = tpu.memref_squeeze %dma_wait3A_710 : memref<1x1x128x1280xf32, #tpu.memory_space<any>> -> memref<128x1280xf32, #tpu.memory_space<any>>
    %dma_wait3A_712 = arith.constant 0 : i32
    %dma_wait3A_713 = arith.constant 0 : i32
    %dma_wait3A_714 = tpu.memref_slice %arg4[%dma_wait3A_702, %dma_wait3A_712, %dma_wait3A_713] : memref<32x128x1280xf32, #tpu.memory_space<vmem>> -> memref<1x128x1280xf32, #tpu.memory_space<vmem>>
    %dma_wait3A_715 = tpu.memref_squeeze %dma_wait3A_714 : memref<1x128x1280xf32, #tpu.memory_space<vmem>> -> memref<128x1280xf32, #tpu.memory_space<vmem>>
    tpu.wait_dma2 semaphore(%dma_wait3A_707 : memref<!tpu.dma_semaphore, #tpu.memory_space<semaphore_mem>>) src(%dma_wait3A_715 : memref<128x1280xf32, #tpu.memory_space<vmem>>) dst(%dma_wait3A_711 : memref<128x1280xf32, #tpu.memory_space<any>>)
    %dma_wait3A_716 = arith.constant 17 : i32
    %dma_wait3A_717 = arith.constant 7 : i32
    %dma_wait3A_718 = arith.constant 2 : i32
    %dma_wait3A_719 = arith.constant 17 : i32
    %dma_wait3A_720 = tpu.memref_slice %arg8[%dma_wait3A_719] : memref<32x!tpu.dma_semaphore, #tpu.memory_space<semaphore_mem>> -> memref<1x!tpu.dma_semaphore, #tpu.memory_space<semaphore_mem>>
    %dma_wait3A_721 = tpu.memref_squeeze %dma_wait3A_720 : memref<1x!tpu.dma_semaphore, #tpu.memory_space<semaphore_mem>> -> memref<!tpu.dma_semaphore, #tpu.memory_space<semaphore_mem>>
    %dma_wait3A_722 = arith.constant 128 : i32
    %dma_wait3A_723 = arith.constant 0 : i32
    %dma_wait3A_724 = tpu.memref_slice %arg2[%dma_wait3A_717, %dma_wait3A_718, %dma_wait3A_722, %dma_wait3A_723] : memref<8x4x1025x1280xf32, #tpu.memory_space<any>> -> memref<1x1x128x1280xf32, #tpu.memory_space<any>>
    %dma_wait3A_725 = tpu.memref_squeeze %dma_wait3A_724 : memref<1x1x128x1280xf32, #tpu.memory_space<any>> -> memref<128x1280xf32, #tpu.memory_space<any>>
    %dma_wait3A_726 = arith.constant 0 : i32
    %dma_wait3A_727 = arith.constant 0 : i32
    %dma_wait3A_728 = tpu.memref_slice %arg4[%dma_wait3A_716, %dma_wait3A_726, %dma_wait3A_727] : memref<32x128x1280xf32, #tpu.memory_space<vmem>> -> memref<1x128x1280xf32, #tpu.memory_space<vmem>>
    %dma_wait3A_729 = tpu.memref_squeeze %dma_wait3A_728 : memref<1x128x1280xf32, #tpu.memory_space<vmem>> -> memref<128x1280xf32, #tpu.memory_space<vmem>>
    tpu.wait_dma2 semaphore(%dma_wait3A_721 : memref<!tpu.dma_semaphore, #tpu.memory_space<semaphore_mem>>) src(%dma_wait3A_729 : memref<128x1280xf32, #tpu.memory_space<vmem>>) dst(%dma_wait3A_725 : memref<128x1280xf32, #tpu.memory_space<any>>)
    %dma_wait3A_730 = arith.constant 18 : i32
    %dma_wait3A_731 = arith.constant 7 : i32
    %dma_wait3A_732 = arith.constant 2 : i32
    %dma_wait3A_733 = arith.constant 18 : i32
    %dma_wait3A_734 = tpu.memref_slice %arg8[%dma_wait3A_733] : memref<32x!tpu.dma_semaphore, #tpu.memory_space<semaphore_mem>> -> memref<1x!tpu.dma_semaphore, #tpu.memory_space<semaphore_mem>>
    %dma_wait3A_735 = tpu.memref_squeeze %dma_wait3A_734 : memref<1x!tpu.dma_semaphore, #tpu.memory_space<semaphore_mem>> -> memref<!tpu.dma_semaphore, #tpu.memory_space<semaphore_mem>>
    %dma_wait3A_736 = arith.constant 256 : i32
    %dma_wait3A_737 = arith.constant 0 : i32
    %dma_wait3A_738 = tpu.memref_slice %arg2[%dma_wait3A_731, %dma_wait3A_732, %dma_wait3A_736, %dma_wait3A_737] : memref<8x4x1025x1280xf32, #tpu.memory_space<any>> -> memref<1x1x128x1280xf32, #tpu.memory_space<any>>
    %dma_wait3A_739 = tpu.memref_squeeze %dma_wait3A_738 : memref<1x1x128x1280xf32, #tpu.memory_space<any>> -> memref<128x1280xf32, #tpu.memory_space<any>>
    %dma_wait3A_740 = arith.constant 0 : i32
    %dma_wait3A_741 = arith.constant 0 : i32
    %dma_wait3A_742 = tpu.memref_slice %arg4[%dma_wait3A_730, %dma_wait3A_740, %dma_wait3A_741] : memref<32x128x1280xf32, #tpu.memory_space<vmem>> -> memref<1x128x1280xf32, #tpu.memory_space<vmem>>
    %dma_wait3A_743 = tpu.memref_squeeze %dma_wait3A_742 : memref<1x128x1280xf32, #tpu.memory_space<vmem>> -> memref<128x1280xf32, #tpu.memory_space<vmem>>
    tpu.wait_dma2 semaphore(%dma_wait3A_735 : memref<!tpu.dma_semaphore, #tpu.memory_space<semaphore_mem>>) src(%dma_wait3A_743 : memref<128x1280xf32, #tpu.memory_space<vmem>>) dst(%dma_wait3A_739 : memref<128x1280xf32, #tpu.memory_space<any>>)
    %dma_wait3A_744 = arith.constant 19 : i32
    %dma_wait3A_745 = arith.constant 7 : i32
    %dma_wait3A_746 = arith.constant 2 : i32
    %dma_wait3A_747 = arith.constant 19 : i32
    %dma_wait3A_748 = tpu.memref_slice %arg8[%dma_wait3A_747] : memref<32x!tpu.dma_semaphore, #tpu.memory_space<semaphore_mem>> -> memref<1x!tpu.dma_semaphore, #tpu.memory_space<semaphore_mem>>
    %dma_wait3A_749 = tpu.memref_squeeze %dma_wait3A_748 : memref<1x!tpu.dma_semaphore, #tpu.memory_space<semaphore_mem>> -> memref<!tpu.dma_semaphore, #tpu.memory_space<semaphore_mem>>
    %dma_wait3A_750 = arith.constant 384 : i32
    %dma_wait3A_751 = arith.constant 0 : i32
    %dma_wait3A_752 = tpu.memref_slice %arg2[%dma_wait3A_745, %dma_wait3A_746, %dma_wait3A_750, %dma_wait3A_751] : memref<8x4x1025x1280xf32, #tpu.memory_space<any>> -> memref<1x1x128x1280xf32, #tpu.memory_space<any>>
    %dma_wait3A_753 = tpu.memref_squeeze %dma_wait3A_752 : memref<1x1x128x1280xf32, #tpu.memory_space<any>> -> memref<128x1280xf32, #tpu.memory_space<any>>
    %dma_wait3A_754 = arith.constant 0 : i32
    %dma_wait3A_755 = arith.constant 0 : i32
    %dma_wait3A_756 = tpu.memref_slice %arg4[%dma_wait3A_744, %dma_wait3A_754, %dma_wait3A_755] : memref<32x128x1280xf32, #tpu.memory_space<vmem>> -> memref<1x128x1280xf32, #tpu.memory_space<vmem>>
    %dma_wait3A_757 = tpu.memref_squeeze %dma_wait3A_756 : memref<1x128x1280xf32, #tpu.memory_space<vmem>> -> memref<128x1280xf32, #tpu.memory_space<vmem>>
    tpu.wait_dma2 semaphore(%dma_wait3A_749 : memref<!tpu.dma_semaphore, #tpu.memory_space<semaphore_mem>>) src(%dma_wait3A_757 : memref<128x1280xf32, #tpu.memory_space<vmem>>) dst(%dma_wait3A_753 : memref<128x1280xf32, #tpu.memory_space<any>>)
    %dma_wait3A_758 = arith.constant 20 : i32
    %dma_wait3A_759 = arith.constant 7 : i32
    %dma_wait3A_760 = arith.constant 2 : i32
    %dma_wait3A_761 = arith.constant 20 : i32
    %dma_wait3A_762 = tpu.memref_slice %arg8[%dma_wait3A_761] : memref<32x!tpu.dma_semaphore, #tpu.memory_space<semaphore_mem>> -> memref<1x!tpu.dma_semaphore, #tpu.memory_space<semaphore_mem>>
    %dma_wait3A_763 = tpu.memref_squeeze %dma_wait3A_762 : memref<1x!tpu.dma_semaphore, #tpu.memory_space<semaphore_mem>> -> memref<!tpu.dma_semaphore, #tpu.memory_space<semaphore_mem>>
    %dma_wait3A_764 = arith.constant 512 : i32
    %dma_wait3A_765 = arith.constant 0 : i32
    %dma_wait3A_766 = tpu.memref_slice %arg2[%dma_wait3A_759, %dma_wait3A_760, %dma_wait3A_764, %dma_wait3A_765] : memref<8x4x1025x1280xf32, #tpu.memory_space<any>> -> memref<1x1x128x1280xf32, #tpu.memory_space<any>>
    %dma_wait3A_767 = tpu.memref_squeeze %dma_wait3A_766 : memref<1x1x128x1280xf32, #tpu.memory_space<any>> -> memref<128x1280xf32, #tpu.memory_space<any>>
    %dma_wait3A_768 = arith.constant 0 : i32
    %dma_wait3A_769 = arith.constant 0 : i32
    %dma_wait3A_770 = tpu.memref_slice %arg4[%dma_wait3A_758, %dma_wait3A_768, %dma_wait3A_769] : memref<32x128x1280xf32, #tpu.memory_space<vmem>> -> memref<1x128x1280xf32, #tpu.memory_space<vmem>>
    %dma_wait3A_771 = tpu.memref_squeeze %dma_wait3A_770 : memref<1x128x1280xf32, #tpu.memory_space<vmem>> -> memref<128x1280xf32, #tpu.memory_space<vmem>>
    tpu.wait_dma2 semaphore(%dma_wait3A_763 : memref<!tpu.dma_semaphore, #tpu.memory_space<semaphore_mem>>) src(%dma_wait3A_771 : memref<128x1280xf32, #tpu.memory_space<vmem>>) dst(%dma_wait3A_767 : memref<128x1280xf32, #tpu.memory_space<any>>)
    %dma_wait3A_772 = arith.constant 21 : i32
    %dma_wait3A_773 = arith.constant 7 : i32
    %dma_wait3A_774 = arith.constant 2 : i32
    %dma_wait3A_775 = arith.constant 21 : i32
    %dma_wait3A_776 = tpu.memref_slice %arg8[%dma_wait3A_775] : memref<32x!tpu.dma_semaphore, #tpu.memory_space<semaphore_mem>> -> memref<1x!tpu.dma_semaphore, #tpu.memory_space<semaphore_mem>>
    %dma_wait3A_777 = tpu.memref_squeeze %dma_wait3A_776 : memref<1x!tpu.dma_semaphore, #tpu.memory_space<semaphore_mem>> -> memref<!tpu.dma_semaphore, #tpu.memory_space<semaphore_mem>>
    %dma_wait3A_778 = arith.constant 640 : i32
    %dma_wait3A_779 = arith.constant 0 : i32
    %dma_wait3A_780 = tpu.memref_slice %arg2[%dma_wait3A_773, %dma_wait3A_774, %dma_wait3A_778, %dma_wait3A_779] : memref<8x4x1025x1280xf32, #tpu.memory_space<any>> -> memref<1x1x128x1280xf32, #tpu.memory_space<any>>
    %dma_wait3A_781 = tpu.memref_squeeze %dma_wait3A_780 : memref<1x1x128x1280xf32, #tpu.memory_space<any>> -> memref<128x1280xf32, #tpu.memory_space<any>>
    %dma_wait3A_782 = arith.constant 0 : i32
    %dma_wait3A_783 = arith.constant 0 : i32
    %dma_wait3A_784 = tpu.memref_slice %arg4[%dma_wait3A_772, %dma_wait3A_782, %dma_wait3A_783] : memref<32x128x1280xf32, #tpu.memory_space<vmem>> -> memref<1x128x1280xf32, #tpu.memory_space<vmem>>
    %dma_wait3A_785 = tpu.memref_squeeze %dma_wait3A_784 : memref<1x128x1280xf32, #tpu.memory_space<vmem>> -> memref<128x1280xf32, #tpu.memory_space<vmem>>
    tpu.wait_dma2 semaphore(%dma_wait3A_777 : memref<!tpu.dma_semaphore, #tpu.memory_space<semaphore_mem>>) src(%dma_wait3A_785 : memref<128x1280xf32, #tpu.memory_space<vmem>>) dst(%dma_wait3A_781 : memref<128x1280xf32, #tpu.memory_space<any>>)
    %dma_wait3A_786 = arith.constant 22 : i32
    %dma_wait3A_787 = arith.constant 7 : i32
    %dma_wait3A_788 = arith.constant 2 : i32
    %dma_wait3A_789 = arith.constant 22 : i32
    %dma_wait3A_790 = tpu.memref_slice %arg8[%dma_wait3A_789] : memref<32x!tpu.dma_semaphore, #tpu.memory_space<semaphore_mem>> -> memref<1x!tpu.dma_semaphore, #tpu.memory_space<semaphore_mem>>
    %dma_wait3A_791 = tpu.memref_squeeze %dma_wait3A_790 : memref<1x!tpu.dma_semaphore, #tpu.memory_space<semaphore_mem>> -> memref<!tpu.dma_semaphore, #tpu.memory_space<semaphore_mem>>
    %dma_wait3A_792 = arith.constant 768 : i32
    %dma_wait3A_793 = arith.constant 0 : i32
    %dma_wait3A_794 = tpu.memref_slice %arg2[%dma_wait3A_787, %dma_wait3A_788, %dma_wait3A_792, %dma_wait3A_793] : memref<8x4x1025x1280xf32, #tpu.memory_space<any>> -> memref<1x1x128x1280xf32, #tpu.memory_space<any>>
    %dma_wait3A_795 = tpu.memref_squeeze %dma_wait3A_794 : memref<1x1x128x1280xf32, #tpu.memory_space<any>> -> memref<128x1280xf32, #tpu.memory_space<any>>
    %dma_wait3A_796 = arith.constant 0 : i32
    %dma_wait3A_797 = arith.constant 0 : i32
    %dma_wait3A_798 = tpu.memref_slice %arg4[%dma_wait3A_786, %dma_wait3A_796, %dma_wait3A_797] : memref<32x128x1280xf32, #tpu.memory_space<vmem>> -> memref<1x128x1280xf32, #tpu.memory_space<vmem>>
    %dma_wait3A_799 = tpu.memref_squeeze %dma_wait3A_798 : memref<1x128x1280xf32, #tpu.memory_space<vmem>> -> memref<128x1280xf32, #tpu.memory_space<vmem>>
    tpu.wait_dma2 semaphore(%dma_wait3A_791 : memref<!tpu.dma_semaphore, #tpu.memory_space<semaphore_mem>>) src(%dma_wait3A_799 : memref<128x1280xf32, #tpu.memory_space<vmem>>) dst(%dma_wait3A_795 : memref<128x1280xf32, #tpu.memory_space<any>>)
    %dma_wait3A_800 = arith.constant 23 : i32
    %dma_wait3A_801 = arith.constant 7 : i32
    %dma_wait3A_802 = arith.constant 2 : i32
    %dma_wait3A_803 = arith.constant 23 : i32
    %dma_wait3A_804 = tpu.memref_slice %arg8[%dma_wait3A_803] : memref<32x!tpu.dma_semaphore, #tpu.memory_space<semaphore_mem>> -> memref<1x!tpu.dma_semaphore, #tpu.memory_space<semaphore_mem>>
    %dma_wait3A_805 = tpu.memref_squeeze %dma_wait3A_804 : memref<1x!tpu.dma_semaphore, #tpu.memory_space<semaphore_mem>> -> memref<!tpu.dma_semaphore, #tpu.memory_space<semaphore_mem>>
    %dma_wait3A_806 = arith.constant 896 : i32
    %dma_wait3A_807 = arith.constant 0 : i32
    %dma_wait3A_808 = tpu.memref_slice %arg2[%dma_wait3A_801, %dma_wait3A_802, %dma_wait3A_806, %dma_wait3A_807] : memref<8x4x1025x1280xf32, #tpu.memory_space<any>> -> memref<1x1x128x1280xf32, #tpu.memory_space<any>>
    %dma_wait3A_809 = tpu.memref_squeeze %dma_wait3A_808 : memref<1x1x128x1280xf32, #tpu.memory_space<any>> -> memref<128x1280xf32, #tpu.memory_space<any>>
    %dma_wait3A_810 = arith.constant 0 : i32
    %dma_wait3A_811 = arith.constant 0 : i32
    %dma_wait3A_812 = tpu.memref_slice %arg4[%dma_wait3A_800, %dma_wait3A_810, %dma_wait3A_811] : memref<32x128x1280xf32, #tpu.memory_space<vmem>> -> memref<1x128x1280xf32, #tpu.memory_space<vmem>>
    %dma_wait3A_813 = tpu.memref_squeeze %dma_wait3A_812 : memref<1x128x1280xf32, #tpu.memory_space<vmem>> -> memref<128x1280xf32, #tpu.memory_space<vmem>>
    tpu.wait_dma2 semaphore(%dma_wait3A_805 : memref<!tpu.dma_semaphore, #tpu.memory_space<semaphore_mem>>) src(%dma_wait3A_813 : memref<128x1280xf32, #tpu.memory_space<vmem>>) dst(%dma_wait3A_809 : memref<128x1280xf32, #tpu.memory_space<any>>)
    %dma_wait3A_814 = arith.constant 24 : i32
    %dma_wait3A_815 = arith.constant 7 : i32
    %dma_wait3A_816 = arith.constant 3 : i32
    %dma_wait3A_817 = arith.constant 24 : i32
    %dma_wait3A_818 = tpu.memref_slice %arg8[%dma_wait3A_817] : memref<32x!tpu.dma_semaphore, #tpu.memory_space<semaphore_mem>> -> memref<1x!tpu.dma_semaphore, #tpu.memory_space<semaphore_mem>>
    %dma_wait3A_819 = tpu.memref_squeeze %dma_wait3A_818 : memref<1x!tpu.dma_semaphore, #tpu.memory_space<semaphore_mem>> -> memref<!tpu.dma_semaphore, #tpu.memory_space<semaphore_mem>>
    %dma_wait3A_820 = arith.constant 0 : i32
    %dma_wait3A_821 = arith.constant 0 : i32
    %dma_wait3A_822 = tpu.memref_slice %arg2[%dma_wait3A_815, %dma_wait3A_816, %dma_wait3A_820, %dma_wait3A_821] : memref<8x4x1025x1280xf32, #tpu.memory_space<any>> -> memref<1x1x128x1280xf32, #tpu.memory_space<any>>
    %dma_wait3A_823 = tpu.memref_squeeze %dma_wait3A_822 : memref<1x1x128x1280xf32, #tpu.memory_space<any>> -> memref<128x1280xf32, #tpu.memory_space<any>>
    %dma_wait3A_824 = arith.constant 0 : i32
    %dma_wait3A_825 = arith.constant 0 : i32
    %dma_wait3A_826 = tpu.memref_slice %arg4[%dma_wait3A_814, %dma_wait3A_824, %dma_wait3A_825] : memref<32x128x1280xf32, #tpu.memory_space<vmem>> -> memref<1x128x1280xf32, #tpu.memory_space<vmem>>
    %dma_wait3A_827 = tpu.memref_squeeze %dma_wait3A_826 : memref<1x128x1280xf32, #tpu.memory_space<vmem>> -> memref<128x1280xf32, #tpu.memory_space<vmem>>
    tpu.wait_dma2 semaphore(%dma_wait3A_819 : memref<!tpu.dma_semaphore, #tpu.memory_space<semaphore_mem>>) src(%dma_wait3A_827 : memref<128x1280xf32, #tpu.memory_space<vmem>>) dst(%dma_wait3A_823 : memref<128x1280xf32, #tpu.memory_space<any>>)
    %dma_wait3A_828 = arith.constant 25 : i32
    %dma_wait3A_829 = arith.constant 7 : i32
    %dma_wait3A_830 = arith.constant 3 : i32
    %dma_wait3A_831 = arith.constant 25 : i32
    %dma_wait3A_832 = tpu.memref_slice %arg8[%dma_wait3A_831] : memref<32x!tpu.dma_semaphore, #tpu.memory_space<semaphore_mem>> -> memref<1x!tpu.dma_semaphore, #tpu.memory_space<semaphore_mem>>
    %dma_wait3A_833 = tpu.memref_squeeze %dma_wait3A_832 : memref<1x!tpu.dma_semaphore, #tpu.memory_space<semaphore_mem>> -> memref<!tpu.dma_semaphore, #tpu.memory_space<semaphore_mem>>
    %dma_wait3A_834 = arith.constant 128 : i32
    %dma_wait3A_835 = arith.constant 0 : i32
    %dma_wait3A_836 = tpu.memref_slice %arg2[%dma_wait3A_829, %dma_wait3A_830, %dma_wait3A_834, %dma_wait3A_835] : memref<8x4x1025x1280xf32, #tpu.memory_space<any>> -> memref<1x1x128x1280xf32, #tpu.memory_space<any>>
    %dma_wait3A_837 = tpu.memref_squeeze %dma_wait3A_836 : memref<1x1x128x1280xf32, #tpu.memory_space<any>> -> memref<128x1280xf32, #tpu.memory_space<any>>
    %dma_wait3A_838 = arith.constant 0 : i32
    %dma_wait3A_839 = arith.constant 0 : i32
    %dma_wait3A_840 = tpu.memref_slice %arg4[%dma_wait3A_828, %dma_wait3A_838, %dma_wait3A_839] : memref<32x128x1280xf32, #tpu.memory_space<vmem>> -> memref<1x128x1280xf32, #tpu.memory_space<vmem>>
    %dma_wait3A_841 = tpu.memref_squeeze %dma_wait3A_840 : memref<1x128x1280xf32, #tpu.memory_space<vmem>> -> memref<128x1280xf32, #tpu.memory_space<vmem>>
    tpu.wait_dma2 semaphore(%dma_wait3A_833 : memref<!tpu.dma_semaphore, #tpu.memory_space<semaphore_mem>>) src(%dma_wait3A_841 : memref<128x1280xf32, #tpu.memory_space<vmem>>) dst(%dma_wait3A_837 : memref<128x1280xf32, #tpu.memory_space<any>>)
    %dma_wait3A_842 = arith.constant 26 : i32
    %dma_wait3A_843 = arith.constant 7 : i32
    %dma_wait3A_844 = arith.constant 3 : i32
    %dma_wait3A_845 = arith.constant 26 : i32
    %dma_wait3A_846 = tpu.memref_slice %arg8[%dma_wait3A_845] : memref<32x!tpu.dma_semaphore, #tpu.memory_space<semaphore_mem>> -> memref<1x!tpu.dma_semaphore, #tpu.memory_space<semaphore_mem>>
    %dma_wait3A_847 = tpu.memref_squeeze %dma_wait3A_846 : memref<1x!tpu.dma_semaphore, #tpu.memory_space<semaphore_mem>> -> memref<!tpu.dma_semaphore, #tpu.memory_space<semaphore_mem>>
    %dma_wait3A_848 = arith.constant 256 : i32
    %dma_wait3A_849 = arith.constant 0 : i32
    %dma_wait3A_850 = tpu.memref_slice %arg2[%dma_wait3A_843, %dma_wait3A_844, %dma_wait3A_848, %dma_wait3A_849] : memref<8x4x1025x1280xf32, #tpu.memory_space<any>> -> memref<1x1x128x1280xf32, #tpu.memory_space<any>>
    %dma_wait3A_851 = tpu.memref_squeeze %dma_wait3A_850 : memref<1x1x128x1280xf32, #tpu.memory_space<any>> -> memref<128x1280xf32, #tpu.memory_space<any>>
    %dma_wait3A_852 = arith.constant 0 : i32
    %dma_wait3A_853 = arith.constant 0 : i32
    %dma_wait3A_854 = tpu.memref_slice %arg4[%dma_wait3A_842, %dma_wait3A_852, %dma_wait3A_853] : memref<32x128x1280xf32, #tpu.memory_space<vmem>> -> memref<1x128x1280xf32, #tpu.memory_space<vmem>>
    %dma_wait3A_855 = tpu.memref_squeeze %dma_wait3A_854 : memref<1x128x1280xf32, #tpu.memory_space<vmem>> -> memref<128x1280xf32, #tpu.memory_space<vmem>>
    tpu.wait_dma2 semaphore(%dma_wait3A_847 : memref<!tpu.dma_semaphore, #tpu.memory_space<semaphore_mem>>) src(%dma_wait3A_855 : memref<128x1280xf32, #tpu.memory_space<vmem>>) dst(%dma_wait3A_851 : memref<128x1280xf32, #tpu.memory_space<any>>)
    %dma_wait3A_856 = arith.constant 27 : i32
    %dma_wait3A_857 = arith.constant 7 : i32
    %dma_wait3A_858 = arith.constant 3 : i32
    %dma_wait3A_859 = arith.constant 27 : i32
    %dma_wait3A_860 = tpu.memref_slice %arg8[%dma_wait3A_859] : memref<32x!tpu.dma_semaphore, #tpu.memory_space<semaphore_mem>> -> memref<1x!tpu.dma_semaphore, #tpu.memory_space<semaphore_mem>>
    %dma_wait3A_861 = tpu.memref_squeeze %dma_wait3A_860 : memref<1x!tpu.dma_semaphore, #tpu.memory_space<semaphore_mem>> -> memref<!tpu.dma_semaphore, #tpu.memory_space<semaphore_mem>>
    %dma_wait3A_862 = arith.constant 384 : i32
    %dma_wait3A_863 = arith.constant 0 : i32
    %dma_wait3A_864 = tpu.memref_slice %arg2[%dma_wait3A_857, %dma_wait3A_858, %dma_wait3A_862, %dma_wait3A_863] : memref<8x4x1025x1280xf32, #tpu.memory_space<any>> -> memref<1x1x128x1280xf32, #tpu.memory_space<any>>
    %dma_wait3A_865 = tpu.memref_squeeze %dma_wait3A_864 : memref<1x1x128x1280xf32, #tpu.memory_space<any>> -> memref<128x1280xf32, #tpu.memory_space<any>>
    %dma_wait3A_866 = arith.constant 0 : i32
    %dma_wait3A_867 = arith.constant 0 : i32
    %dma_wait3A_868 = tpu.memref_slice %arg4[%dma_wait3A_856, %dma_wait3A_866, %dma_wait3A_867] : memref<32x128x1280xf32, #tpu.memory_space<vmem>> -> memref<1x128x1280xf32, #tpu.memory_space<vmem>>
    %dma_wait3A_869 = tpu.memref_squeeze %dma_wait3A_868 : memref<1x128x1280xf32, #tpu.memory_space<vmem>> -> memref<128x1280xf32, #tpu.memory_space<vmem>>
    tpu.wait_dma2 semaphore(%dma_wait3A_861 : memref<!tpu.dma_semaphore, #tpu.memory_space<semaphore_mem>>) src(%dma_wait3A_869 : memref<128x1280xf32, #tpu.memory_space<vmem>>) dst(%dma_wait3A_865 : memref<128x1280xf32, #tpu.memory_space<any>>)
    %dma_wait3A_870 = arith.constant 28 : i32
    %dma_wait3A_871 = arith.constant 7 : i32
    %dma_wait3A_872 = arith.constant 3 : i32
    %dma_wait3A_873 = arith.constant 28 : i32
    %dma_wait3A_874 = tpu.memref_slice %arg8[%dma_wait3A_873] : memref<32x!tpu.dma_semaphore, #tpu.memory_space<semaphore_mem>> -> memref<1x!tpu.dma_semaphore, #tpu.memory_space<semaphore_mem>>
    %dma_wait3A_875 = tpu.memref_squeeze %dma_wait3A_874 : memref<1x!tpu.dma_semaphore, #tpu.memory_space<semaphore_mem>> -> memref<!tpu.dma_semaphore, #tpu.memory_space<semaphore_mem>>
    %dma_wait3A_876 = arith.constant 512 : i32
    %dma_wait3A_877 = arith.constant 0 : i32
    %dma_wait3A_878 = tpu.memref_slice %arg2[%dma_wait3A_871, %dma_wait3A_872, %dma_wait3A_876, %dma_wait3A_877] : memref<8x4x1025x1280xf32, #tpu.memory_space<any>> -> memref<1x1x128x1280xf32, #tpu.memory_space<any>>
    %dma_wait3A_879 = tpu.memref_squeeze %dma_wait3A_878 : memref<1x1x128x1280xf32, #tpu.memory_space<any>> -> memref<128x1280xf32, #tpu.memory_space<any>>
    %dma_wait3A_880 = arith.constant 0 : i32
    %dma_wait3A_881 = arith.constant 0 : i32
    %dma_wait3A_882 = tpu.memref_slice %arg4[%dma_wait3A_870, %dma_wait3A_880, %dma_wait3A_881] : memref<32x128x1280xf32, #tpu.memory_space<vmem>> -> memref<1x128x1280xf32, #tpu.memory_space<vmem>>
    %dma_wait3A_883 = tpu.memref_squeeze %dma_wait3A_882 : memref<1x128x1280xf32, #tpu.memory_space<vmem>> -> memref<128x1280xf32, #tpu.memory_space<vmem>>
    tpu.wait_dma2 semaphore(%dma_wait3A_875 : memref<!tpu.dma_semaphore, #tpu.memory_space<semaphore_mem>>) src(%dma_wait3A_883 : memref<128x1280xf32, #tpu.memory_space<vmem>>) dst(%dma_wait3A_879 : memref<128x1280xf32, #tpu.memory_space<any>>)
    %dma_wait3A_884 = arith.constant 29 : i32
    %dma_wait3A_885 = arith.constant 7 : i32
    %dma_wait3A_886 = arith.constant 3 : i32
    %dma_wait3A_887 = arith.constant 29 : i32
    %dma_wait3A_888 = tpu.memref_slice %arg8[%dma_wait3A_887] : memref<32x!tpu.dma_semaphore, #tpu.memory_space<semaphore_mem>> -> memref<1x!tpu.dma_semaphore, #tpu.memory_space<semaphore_mem>>
    %dma_wait3A_889 = tpu.memref_squeeze %dma_wait3A_888 : memref<1x!tpu.dma_semaphore, #tpu.memory_space<semaphore_mem>> -> memref<!tpu.dma_semaphore, #tpu.memory_space<semaphore_mem>>
    %dma_wait3A_890 = arith.constant 640 : i32
    %dma_wait3A_891 = arith.constant 0 : i32
    %dma_wait3A_892 = tpu.memref_slice %arg2[%dma_wait3A_885, %dma_wait3A_886, %dma_wait3A_890, %dma_wait3A_891] : memref<8x4x1025x1280xf32, #tpu.memory_space<any>> -> memref<1x1x128x1280xf32, #tpu.memory_space<any>>
    %dma_wait3A_893 = tpu.memref_squeeze %dma_wait3A_892 : memref<1x1x128x1280xf32, #tpu.memory_space<any>> -> memref<128x1280xf32, #tpu.memory_space<any>>
    %dma_wait3A_894 = arith.constant 0 : i32
    %dma_wait3A_895 = arith.constant 0 : i32
    %dma_wait3A_896 = tpu.memref_slice %arg4[%dma_wait3A_884, %dma_wait3A_894, %dma_wait3A_895] : memref<32x128x1280xf32, #tpu.memory_space<vmem>> -> memref<1x128x1280xf32, #tpu.memory_space<vmem>>
    %dma_wait3A_897 = tpu.memref_squeeze %dma_wait3A_896 : memref<1x128x1280xf32, #tpu.memory_space<vmem>> -> memref<128x1280xf32, #tpu.memory_space<vmem>>
    tpu.wait_dma2 semaphore(%dma_wait3A_889 : memref<!tpu.dma_semaphore, #tpu.memory_space<semaphore_mem>>) src(%dma_wait3A_897 : memref<128x1280xf32, #tpu.memory_space<vmem>>) dst(%dma_wait3A_893 : memref<128x1280xf32, #tpu.memory_space<any>>)
    %dma_wait3A_898 = arith.constant 30 : i32
    %dma_wait3A_899 = arith.constant 7 : i32
    %dma_wait3A_900 = arith.constant 3 : i32
    %dma_wait3A_901 = arith.constant 30 : i32
    %dma_wait3A_902 = tpu.memref_slice %arg8[%dma_wait3A_901] : memref<32x!tpu.dma_semaphore, #tpu.memory_space<semaphore_mem>> -> memref<1x!tpu.dma_semaphore, #tpu.memory_space<semaphore_mem>>
    %dma_wait3A_903 = tpu.memref_squeeze %dma_wait3A_902 : memref<1x!tpu.dma_semaphore, #tpu.memory_space<semaphore_mem>> -> memref<!tpu.dma_semaphore, #tpu.memory_space<semaphore_mem>>
    %dma_wait3A_904 = arith.constant 768 : i32
    %dma_wait3A_905 = arith.constant 0 : i32
    %dma_wait3A_906 = tpu.memref_slice %arg2[%dma_wait3A_899, %dma_wait3A_900, %dma_wait3A_904, %dma_wait3A_905] : memref<8x4x1025x1280xf32, #tpu.memory_space<any>> -> memref<1x1x128x1280xf32, #tpu.memory_space<any>>
    %dma_wait3A_907 = tpu.memref_squeeze %dma_wait3A_906 : memref<1x1x128x1280xf32, #tpu.memory_space<any>> -> memref<128x1280xf32, #tpu.memory_space<any>>
    %dma_wait3A_908 = arith.constant 0 : i32
    %dma_wait3A_909 = arith.constant 0 : i32
    %dma_wait3A_910 = tpu.memref_slice %arg4[%dma_wait3A_898, %dma_wait3A_908, %dma_wait3A_909] : memref<32x128x1280xf32, #tpu.memory_space<vmem>> -> memref<1x128x1280xf32, #tpu.memory_space<vmem>>
    %dma_wait3A_911 = tpu.memref_squeeze %dma_wait3A_910 : memref<1x128x1280xf32, #tpu.memory_space<vmem>> -> memref<128x1280xf32, #tpu.memory_space<vmem>>
    tpu.wait_dma2 semaphore(%dma_wait3A_903 : memref<!tpu.dma_semaphore, #tpu.memory_space<semaphore_mem>>) src(%dma_wait3A_911 : memref<128x1280xf32, #tpu.memory_space<vmem>>) dst(%dma_wait3A_907 : memref<128x1280xf32, #tpu.memory_space<any>>)
    %dma_wait3A_912 = arith.constant 31 : i32
    %dma_wait3A_913 = arith.constant 7 : i32
    %dma_wait3A_914 = arith.constant 3 : i32
    %dma_wait3A_915 = arith.constant 31 : i32
    %dma_wait3A_916 = tpu.memref_slice %arg8[%dma_wait3A_915] : memref<32x!tpu.dma_semaphore, #tpu.memory_space<semaphore_mem>> -> memref<1x!tpu.dma_semaphore, #tpu.memory_space<semaphore_mem>>
    %dma_wait3A_917 = tpu.memref_squeeze %dma_wait3A_916 : memref<1x!tpu.dma_semaphore, #tpu.memory_space<semaphore_mem>> -> memref<!tpu.dma_semaphore, #tpu.memory_space<semaphore_mem>>
    %dma_wait3A_918 = arith.constant 896 : i32
    %dma_wait3A_919 = arith.constant 0 : i32
    %dma_wait3A_920 = tpu.memref_slice %arg2[%dma_wait3A_913, %dma_wait3A_914, %dma_wait3A_918, %dma_wait3A_919] : memref<8x4x1025x1280xf32, #tpu.memory_space<any>> -> memref<1x1x128x1280xf32, #tpu.memory_space<any>>
    %dma_wait3A_921 = tpu.memref_squeeze %dma_wait3A_920 : memref<1x1x128x1280xf32, #tpu.memory_space<any>> -> memref<128x1280xf32, #tpu.memory_space<any>>
    %dma_wait3A_922 = arith.constant 0 : i32
    %dma_wait3A_923 = arith.constant 0 : i32
    %dma_wait3A_924 = tpu.memref_slice %arg4[%dma_wait3A_912, %dma_wait3A_922, %dma_wait3A_923] : memref<32x128x1280xf32, #tpu.memory_space<vmem>> -> memref<1x128x1280xf32, #tpu.memory_space<vmem>>
    %dma_wait3A_925 = tpu.memref_squeeze %dma_wait3A_924 : memref<1x128x1280xf32, #tpu.memory_space<vmem>> -> memref<128x1280xf32, #tpu.memory_space<vmem>>
    tpu.wait_dma2 semaphore(%dma_wait3A_917 : memref<!tpu.dma_semaphore, #tpu.memory_space<semaphore_mem>>) src(%dma_wait3A_925 : memref<128x1280xf32, #tpu.memory_space<vmem>>) dst(%dma_wait3A_921 : memref<128x1280xf32, #tpu.memory_space<any>>)
    %dma_wait3A_926 = arith.constant 0 : i32
    %dma_wait3A_927 = arith.constant 0 : i32
    %dma_wait3A_928 = arith.constant 1024 : i32
    %dma_wait3A_929 = arith.constant 0 : i32
    %dma_wait3A_930 = tpu.memref_slice %arg2[%dma_wait3A_926, %dma_wait3A_927, %dma_wait3A_928, %dma_wait3A_929] : memref<8x4x1025x1280xf32, #tpu.memory_space<any>> -> memref<8x4x1x1280xf32, #tpu.memory_space<any>>
    tpu.wait_dma2 semaphore(%arg10 : memref<!tpu.dma_semaphore, #tpu.memory_space<semaphore_mem>>) src(%arg6 : memref<8x4x1x1280xf32, #tpu.memory_space<vmem>>) dst(%dma_wait3A_930 : memref<8x4x1x1280xf32, #tpu.memory_space<any>>)
    return
  }
}

</mosaic_0001>

<sc_bundles>
// kernel: kernel.4.cloned.1.call-start
scs
__scs_entry_jumppad:
0x0: {  	(pc) =	sbr.rel $0x88, $3  }
0x1: {  	(tag) =	ssettag $0x0;
	lr =	simm.s32 $0x1  }
0x2: {  	[smem:$0x3F9E] =	sst lr;
	_ =	strace $0xD0000000  }
0x3: {  	_ = 	snop  }
0x4: {  	_ = 	snop  }
0x5: {  	_ = 	snop  }
0x6: {  	_ = 	snop  }
0x7: {  	_ = 	snop  }
__scs_overlays_trampoline_lowered:
0x8: {  	[smem:$0x3FAD] =	sst s0  }
0x9: {  	[smem:$0x3FAE] =	sst s1  }
0xa: {  	[smem:$0x3FAF] =	sst s2  }
0xb: {  	[smem:$0x3FB0] =	sst s3  }
0xc: {  	[smem:$0x3FB1] =	sst s4  }
0xd: {  	[smem:$0x3FB2] =	sst s5  }
0xe: {  	[smem:$0x3FB3] =	sst s6  }
0xf: {  	[smem:$0x3FB4] =	sst s7  }
0x10: {  	[smem:$0x3FB5] =	sst s8  }
0x11: {  	[smem:$0x3FB6] =	sst s9;
	s0 =	simm.s32 @!p0 $0x0  }
0x12: {  	s1 =	sld [smem:$0x3F9C];
	s0 =	simm.s32 @p0 $0x1  }
0x13: {  	[smem:$0x3FB7] =	sst s0;
	s0 =	simm.s32 @!p1 $0x0  }
0x14: {  	s2 =	sld [smem:$0x3F9B];
	s0 =	simm.s32 @p1 $0x1  }
0x15: {  	[smem:$0x3FB8] =	sst s0;
	s0 =	simm.s32 @!p2 $0x0  }
0x16: {  	s3 =	sld [smem:$0x3FDB];
	s0 =	simm.s32 @p2 $0x1  }
0x17: {  	s4 =	simm.s32 $0x1BF5;
	[smem:$0x3FBA] =	sst s0  }
0x18: {  	s0 =	sld [smem:$0x3F9D];
	_ =	swait.ge [sflag:s4], $0x0  }
0x19: {  	s7 =	sld [smem:$0x3F9E]  }
0x1a: {  	s8 =	sadd.s32 $0xFFFFE003, lr  }
0x1b: {  	s9 =	sadd.s32 $0xFFFFFEF7, lr;
	s5 =	simm.s32 $0xFFFFFFFF;
	p2 =	slt.u32 s8, $0xFFFFF086  }
0x1c: {  	p1 =	slt.u32 s9, $0xF7A;
	s5 =	simm.s32 @!p2 $0x0  }
0x1d: {  	s5 =	simm.s32 @p1 $0x1;
	p0 =	seq.s32 s7, s2  }
0x1e: {  	s7 =	smul.u32 @!p0 $0xF7A, s2;
	p2 =	seq.s32 @!p0 s5, $0x0  }
0x1f: {  	s9 =	smul.u32 $0xF7A, s1;
	s8 =	simm.s32 @!p0 $0x1BF5;
	p2 =	por !p2, p0  }
0x20: {  	[sflag:s8] =	ssyncset.s32 @!p0 $0xFFFFF086;
	s6 =	sadd.s32 @!p0 s3, s7;
	s7 =	simm.s32 @!p0 $0x108  }
0x21: {  	s3 =	sadd.s32 s3, s9;
	s6 =	sadd.s32 @!p0 $0x88, s6;
	s7 =	simm.s32 @p2 $0x1082  }
0x22: {  	[simem:s7], [sflag:s8] =	dma.local @!p0 [hbm:s6], $0xF7A  }
0x23: {  	s9 =	sor.u32 $0xD0000000, s2;
	s6 =	simm.s32 $0x108;
	_ =	swait.ge @!p0 [sflag:s8], $0x0  }
0x24: {  	s3 =	sadd.s32 $0x88, s3;
	s6 =	simm.s32 @!p1 $0x1082;
	[sflag:s4] =	ssyncset.s32 $0xFFFFF086  }
0x25: {  	[simem:s6], [sflag:s4] =	dma.local [hbm:s3], $0xF7A  }
0x26: {  	[smem:$0x3F9E] =	sst s1;
	(tag) =	ssettag s2;
	_ =	strace s9  }
0x27: {  	s1 =	sld [smem:$0x3FAE]  }
0x28: {  	s2 =	sld [smem:$0x3FAF]  }
0x29: {  	s4 =	sld [smem:$0x3FB1]  }
0x2a: {  	p0 =	seq.s32 s5, $0x0;
	s5 =	sld [smem:$0x3FB2]  }
0x2b: {  	s6 =	sld [smem:$0x3FB3]  }
0x2c: {  	s7 =	sld [smem:$0x3FB4]  }
0x2d: {  	s3 =	simm.s32 $0x108;
	s8 =	sld [smem:$0x3FB5]  }
0x2e: {  	s3 =	simm.s32 @!p0 $0x1082;
	s9 =	sld [smem:$0x3FB6]  }
0x2f: {  	lr =	sadd.s32 s0, s3;
	s0 =	sld [smem:$0x3FAD]  }
0x30: {  	s3 =	sld [smem:$0x3FB0]  }
0x31: {  	[smem:$0x3FB9] =	sst s10  }
0x32: {  	s10 =	sld [smem:$0x3FB7];
	_ =	sdelay $0x3  }
0x33: {  	p0 =	seq.s32 s10, $0x1;
	s10 =	sld [smem:$0x3FB9];
	_ =	sdelay $0x3  }
0x34: {  	[smem:$0x3FB9] =	sst s10  }
0x35: {  	s10 =	sld [smem:$0x3FB8];
	_ =	sdelay $0x3  }
0x36: {  	p1 =	seq.s32 s10, $0x1;
	s10 =	sld [smem:$0x3FB9];
	_ =	sdelay $0x3  }
0x37: {  	[smem:$0x3FB9] =	sst s10  }
0x38: {  	s10 =	sld [smem:$0x3FBA]  }
0x39: {  	_ = 	snop;
	(pc) =	sbr.ind lr, $3  }
0x3a: {  	_ = 	snop  }
0x3b: {  	_ = 	snop  }
0x3c: {  	p2 =	seq.s32 s10, $0x1;
	s10 =	sld [smem:$0x3FB9]  }
0x3d: {  	_ =	shalt  }
0x3e: {  	_ =	shalt  }
0x3f: {  	_ =	shalt  }
0x40: {  	_ =	shalt  }
0x41: {  	_ =	shalt  }
0x42: {  	_ =	shalt  }
0x43: {  	_ =	shalt  }
0x44: {  	_ =	shalt  }
0x45: {  	_ =	shalt  }
0x46: {  	_ =	shalt  }
0x47: {  	_ =	shalt  }
0x48: {  	_ =	shalt  }
0x49: {  	_ =	shalt  }
0x4a: {  	_ =	shalt  }
0x4b: {  	_ =	shalt  }
0x4c: {  	_ =	shalt  }
0x4d: {  	_ =	shalt  }
0x4e: {  	_ =	shalt  }
0x4f: {  	_ =	shalt  }
0x50: {  	_ =	shalt  }
0x51: {  	_ =	shalt  }
0x52: {  	_ =	shalt  }
0x53: {  	_ =	shalt  }
0x54: {  	_ =	shalt  }
0x55: {  	_ =	shalt  }
0x56: {  	_ =	shalt  }
0x57: {  	_ =	shalt  }
0x58: {  	_ =	shalt  }
0x59: {  	_ =	shalt  }
0x5a: {  	_ =	shalt  }
0x5b: {  	_ =	shalt  }
0x5c: {  	_ =	shalt  }
0x5d: {  	_ =	shalt  }
0x5e: {  	_ =	shalt  }
0x5f: {  	_ =	shalt  }
0x60: {  	_ =	shalt  }
0x61: {  	_ =	shalt  }
0x62: {  	_ =	shalt  }
0x63: {  	_ =	shalt  }
0x64: {  	_ =	shalt  }
0x65: {  	_ =	shalt  }
0x66: {  	_ =	shalt  }
0x67: {  	_ =	shalt  }
0x68: {  	_ =	shalt  }
0x69: {  	_ =	shalt  }
0x6a: {  	_ =	shalt  }
0x6b: {  	_ =	shalt  }
0x6c: {  	_ =	shalt  }
0x6d: {  	_ =	shalt  }
0x6e: {  	_ =	shalt  }
0x6f: {  	_ =	shalt  }
0x70: {  	_ =	shalt  }
0x71: {  	_ =	shalt  }
0x72: {  	_ =	shalt  }
0x73: {  	_ =	shalt  }
0x74: {  	_ =	shalt  }
0x75: {  	_ =	shalt  }
0x76: {  	_ =	shalt  }
0x77: {  	_ =	shalt  }
0x78: {  	_ =	shalt  }
0x79: {  	_ =	shalt  }
0x7a: {  	_ =	shalt  }
0x7b: {  	_ =	shalt  }
0x7c: {  	_ =	shalt  }
0x7d: {  	_ =	shalt  }
0x7e: {  	_ =	shalt  }
0x7f: {  	_ =	shalt  }
0x80: {  	_ =	shalt  }
0x81: {  	_ =	shalt  }
0x82: {  	_ =	shalt  }
0x83: {  	_ =	shalt  }
0x84: {  	_ =	shalt  }
0x85: {  	_ =	shalt  }
0x86: {  	_ =	shalt  }
0x87: {  	_ =	shalt  }
.Lfunc_end0:
.L_simem_size_0:
called_computation_lowered:
.L_overlay_start_0:
0x88: {  	s2 =	sld [smem:$0x3FD9]  }
0x89: {  	s3 =	sld [smem:$0x3FFE];
	_ =	sdelay $0x1  }
0x8a: {  	s1 =	srdreg.scid  }
0x8b: {  	s0 =	sand.u32 $0x1, s1  }
0x8c: {  	s17 =	sshll.u32 s0, $0xA;
	s2 =	sadd.s32 s3, s2  }
0x8d: {  	s2 =	sadd.s32 s2, s17  }
0x8e: {  	[smem:$0x3FC5] =	sst s2  }
0x8f: {  	_ = 	snop  }
0x90: {  	s2 =	sld [smem:$0x3FD0];
	(tm) =	ssettm $0x1  }
0x91: {  	s18 =	sld [smem:$0x3FFB];
	_ =	sdelay $0x3  }
0x92: {  	_ =	strace s18  }
0x93: {  	s3 =	sld [smem:$0x3FFC];
	_ =	sdelay $0x3  }
0x94: {  	_ =	strace s3  }
0x95: {  	s3 =	sld [smem:$0x3FFD];
	_ =	sdelay $0x3  }
0x96: {  	_ =	strace s3  }
0x97: {  	_ =	strace $0x8FFFFFFF  }
0x98: {  	s19 =	sld [smem:$0x3FDB];
	_ =	sdelay $0x1  }
0x99: {  	s4 =	simm.s32 $_scs_section_size  }
0x9a: {  	s5 =	simm.s32 $_size__tile_overlayer_lowered;
	s6 =	simm.s32 $_tile_overlayer_lowered  }
0x9b: {  	s22 =	simm.s32 $0x1BFF;
	s21 =	sshll.u32 s6, $0x1;
	s3 =	sadd.s32 s4, s19  }
0x9c: {  	s7 =	simm.s32 $0x0;
	s20 =	sshll.u32 s5, $0x1;
	s5 =	sadd.s32 s21, s3  }
0x9d: {  	[timem:s7], [sflag:s22] =	dma.local [hbm:s5], s20  }
0x9e: {  	_ =	swait.ge [sflag:s22], s20  }
0x9f: {  	s4 =	ssub.s32 $0x0, s20;
	[sflag:s22] =	ssyncset.done $0x0  }
0xa0: {  	[sflag:s22] =	ssyncadd.s32 s4;
	_ =	sdelay $0x1  }
0xa1: {  	s23 =	simm.s32 $0x1B8B  }
0xa2: {  	_ =	swait.ge [sflag:s23], $0x1  }
0xa3: {  	[sflag:s23] =	ssyncset.done $0x0  }
0xa4: {  	s25 =	simm.s32 $0x1B8E;
	s24 =	sld [smem:$0x3FFE];
	[sflag:s23] =	ssyncadd.s32 $0xFFFFFFFF  }
0xa5: {  	s26 =	simm.s32 $execute0_lowered;
	[smem:$0x3FD2] =	sst s25  }
0xa6: {  	s5 =	sshll.u32 s26, $0x1;
	_ =	strace $0x80000046;
	[dreg:$0x1] =	wrdreg $0xFFFFFFFF  }
0xa7: {  	s28 =	simm.s32 $_size_execute0_lowered;
	s3 =	sadd.s32 s3, s5;
	[dreg:$0x0] =	wrdreg $0x0  }
0xa8: {  	s5 =	sshll.u32 s28, $0x1;
	[dreg:$0x2] =	wrdreg s3  }
0xa9: {  	[dreg:$0x3] =	wrdreg s5  }
0xaa: {  	[dreg:$0x4] =	wrdreg $0xC0  }
0xab: {  	_ =	task [dreg:s7], $0x5FFFF  }
0xac: {  	[dreg:$0x1] =	wrdreg $0xFFFFFFFF  }
0xad: {  	[dreg:$0x0] =	wrdreg $0x60  }
0xae: {  	[dreg:$0x2] =	wrdreg s24  }
0xaf: {  	[dreg:$0x3] =	wrdreg s2  }
0xb0: {  	[dreg:$0x4] =	wrdreg $0x9  }
0xb1: {  	_ =	task.clear_ibuf [dreg:s7], $0x5FFFF;
	_ =	strace $0x90000046  }
0xb2: {  	s29 =	simm.s32 $0x9;
	_ =	strace $0x80000048  }
0xb3: {  	_ =	swait.ge [sflag:s29], $0x1  }
0xb4: {  	[sflag:s29] =	ssyncadd.s32 $0xFFFFFFFF  }
0xb5: {  	_ =	strace $0x90000048  }
0xb6: {  	_ =	sfence  }
0xb7: {  	s30 =	sld [smem:$0x0];
	_ =	sdelay $0x2  }
0xb8: {  	s31 =	sshll.u32 s1, $0xD;
	s1 =	sshrl.u32 s1, $0x2  }
0xb9: {  	s3 =	sand.u32 $0x4000, s31;
	s1 =	sadd.s32 s1, s30  }
0xba: {  	s0 =	sor.u32 s3, s0;
	s1 =	sshll.u32 s1, $0x11  }
0xbb: {  	s0 =	sor.u32 s1, s0  }
0xbc: {  	s0 =	sadd.s32 $0x8F2B, s0  }
0xbd: {  	[sflag:s0] =	ssyncadd.remote.s32 $0x1  }
0xbe: {  	_ =	sfence.sel $0xFFFF  }
0xbf: {  	[dreg:$0x0] =	wrdreg $0xFFFFFFFF;
	(pc) =	sbr.abs _section_cstart, $3  }
0xc0: {  	[dreg:$0x1] =	wrdreg $0xFFFFFFFF  }
0xc1: {  	_ =	task.clear_ibuf [dreg:s7], $0x2FFFF;
	_ =	strace $0x9FFFFFFF  }
0xc2: {  	(tm) =	ssettm $0x7FFFFFFF  }
0xc3: {  	_ =	shalt  }
tec
execute0_lowered:
.L_overlay_start_1:
0x0: {  	(tag) =	ssettag $0x1  }
0x1: {  	s2 =	rddreg [dreg:$0x0];
	s1 =	srdreg.scid  }
0x2: {  	s0 =	stileid.u32;
	s3 =	rddreg [dreg:$0x1]  }
0x3: {  	s6 =	sand.u32 $0x1, s1;
	s28 =	sshll.u32 s0, $0x1;
	s4 =	sshrl.u32 s0, $0x2  }
0x4: {  	vm0 =	vcmask $0x1F14;
	vm1 =	vcmask $0xF04;
	[dreg:$0x3] =	wrdreg s3;
	s3 =	simm.s32 $0x0;
	s5 =	sor.u32 s6, s28  }
0x5: {  	v4 =	vlaneseq.u32;
	vm0 =	vmor vm1, vm0;
	vm1 =	vcmask $0x2F24;
	s7 =	sand.u32 $0x10, s28;
	[smem:$0x7FF] =	sst s3;
	s8 =	sshll.u32 s5, $0x7  }
0x6: {  	v0 =	vand.u32 $0x3, v4;
	s4 =	smul.u32 $0x2800, s4;
	vm0 =	vmor vm0, vm1;
	_ =	strace $0x80000047;
	s8 =	sand.u32 $0x380, s8  }
0x7: {  	vm1 =	vcmask $0x3F34;
	v1 =	vmov s7;
	v2 =	vor.u32 s7, v4;
	[tilespmem:s3], [sflag:$0x2] =	stream.linear.gather [hbm4b:s2+s3], $0x80, $0x38;
	[tilespmem:$0x600] =	vst v63  }
0x8: {  	vm0 =	vmor vm0, vm1;
	vm2 =	veq.s32 v1, v4;
	(v2sf) =	vpush v0, $0xE;
	s4 =	sor.u32 s4, s8  }
0x9: {  	v1 =	vimm.s32 $0x0;
	vm0 =	vmand vm2, vm0;
	(v2sf) =	vpush v0, $0xD;
	s4 =	sshrl.u32 s4, $0x3  }
0xa: {  	s29 =	simm.s32 $0x400;
	v2 =	vshrl.u32 v2, $0x2;
	v3 =	vsel vm0, $0xFFFFFFFF, v1;
	(v2sf) =	vpush v0, $0xC;
	s4 =	sadd.s32 s4, s2  }
0xb: {  	[dreg:$0x5] =	wrdreg s29;
	v2 =	vadd.s32 v3, v2;
	(v2sf) =	vpush v0, $0xB;
	s4 =	sadd.s32 $0x200, s4  }
0xc: {  	v2 =	vshll.u32 v2, $0x1;
	(v2sf) =	vpush v0, $0xA;
	[dreg:$0x4] =	wrdreg s4;
	s4 =	simm.s32 $0x2  }
0xd: {  	v3 =	vor.u32 $0x1, v2;
	_ =	swait.ge [sflag:s4], $0x80  }
0xe: {  	(v2sf) =	vpush v0, $0x9  }
0xf: {  	(v2sf) =	vpush v0, $0x8  }
0x10: {  	[sflag:s4] =	ssyncset.done $0x0;
	(v2sf) =	vpush v0, $0x7  }
0x11: {  	[sflag:s4] =	ssyncadd.s32 $0xFFFFFF80;
	(v2sf) =	vpush v0, $0x6  }
0x12: {  	v5 =	vld.idx.msk [tilespmem:v3+s3+$0x0], $0xffff;
	(v2sf) =	vpush v0, $0x5  }
0x13: {  	(v2sf) =	vpush v0, $0x4  }
0x14: {  	(v2sf) =	vpush v0, $0x3  }
0x15: {  	(v2sf) =	vpush v0, $0x2  }
0x16: {  	(v2sf) =	vpush v0, $0x1  }
0x17: {  	vm0 =	vgt.s32 v5, $0x1;
	(v2sf) =	vpush v0, $0x0  }
0x18: {  	s7 =	spop (v2sf);
	v6 =	vnsel vm0, $0x1, v5;
	(v2sf) =	vpush v0, $0xF  }
0x19: {  	s8 =	spop (v2sf);
	(v2sf) =	vpush v6, $0x5  }
0x1a: {  	s9 =	spop (v2sf);
	(v2sf) =	vpush v6, $0x4  }
0x1b: {  	s10 =	spop (v2sf);
	(v2sf) =	vpush v6, $0x3  }
0x1c: {  	s11 =	spop (v2sf);
	(v2sf) =	vpush v6, $0x2  }
0x1d: {  	(v2sf) =	vpush v6, $0x1;
	s12 =	spop (v2sf)  }
0x1e: {  	(v2sf) =	vpush v6, $0x0;
	s13 =	spop (v2sf)  }
0x1f: {  	(v2sf) =	vpush v6, $0xF;
	s14 =	spop (v2sf)  }
0x20: {  	(v2sf) =	vpush v6, $0x6;
	s15 =	spop (v2sf)  }
0x21: {  	s16 =	spop (v2sf);
	(v2sf) =	vpush v6, $0x7  }
0x22: {  	s17 =	spop (v2sf);
	(v2sf) =	vpush v6, $0x8  }
0x23: {  	s18 =	spop (v2sf);
	(v2sf) =	vpush v6, $0x9  }
0x24: {  	s19 =	spop (v2sf);
	(v2sf) =	vpush v6, $0xA  }
0x25: {  	s20 =	spop (v2sf);
	(v2sf) =	vpush v6, $0xB  }
0x26: {  	s21 =	spop (v2sf);
	(v2sf) =	vpush v6, $0xC  }
0x27: {  	s22 =	spop (v2sf);
	(v2sf) =	vpush v6, $0xD  }
0x28: {  	s23 =	spop (v2sf);
	(v2sf) =	vpush v6, $0xE  }
0x29: {  	s24 =	spop (v2sf)  }
0x2a: {  	s25 =	spop (v2sf)  }
0x2b: {  	s26 =	spop (v2sf)  }
0x2c: {  	s28 =	spop (v2sf)  }
0x2d: {  	s29 =	spop (v2sf)  }
0x2e: {  	s30 =	spop (v2sf)  }
0x2f: {  	(drf) =	sdiv.u32 s22, s30;
	s22 =	spop (v2sf)  }
0x30: {  	(drf) =	sdiv.u32 s21, s29;
	s30 =	spop (v2sf)  }
0x31: {  	(drf) =	sdiv.u32 s20, s28;
	s31 =	spop (v2sf)  }
0x32: {  	(drf) =	sdiv.u32 s19, s26;
	s1 =	spop (v2sf)  }
0x33: {  	(drf) =	sdiv.u32 s18, s25;
	s25 =	spop (v2sf)  }
0x34: {  	(drf) =	sdiv.u32 s17, s24;
	s26 =	spop (v2sf)  }
0x35: {  	(drf) =	sdiv.u32 s16, s23;
	s28 =	spop (v2sf)  }
0x36: {  	(drf) =	sdiv.u32 s15, s22;
	s29 =	spop (v2sf)  }
0x37: {  	(drf) =	sdiv.u32 s14, s30;
	s30 =	spop (v2sf)  }
0x38: {  	(drf) =	sdiv.u32 s13, s31;
	s31 =	spop (drf)  }
0x39: {  	vm0 =	vcmask $0x300;
	(drf) =	sdiv.u32 s12, s1;
	v7 =	vmov s31;
	s1 =	spop (drf)  }
0x3a: {  	vm1 =	vcmask $0x704;
	(drf) =	sdiv.u32 s11, s25;
	v7 =	vsel vm0, s1, v7;
	s12 =	spop (drf)  }
0x3b: {  	vm0 =	vcmask $0xB08;
	(drf) =	sdiv.u32 s10, s26;
	v7 =	vsel vm1, s12, v7;
	s13 =	spop (drf)  }
0x3c: {  	vm3 =	vcmask $0xF0C;
	(drf) =	sdiv.u32 s9, s28;
	v7 =	vsel vm0, s13, v7;
	s16 =	spop (drf)  }
0x3d: {  	vm4 =	vcmask $0x1310;
	(drf) =	sdiv.u32 s8, s29;
	v7 =	vsel vm3, s16, v7;
	s17 =	spop (drf)  }
0x3e: {  	vm5 =	vcmask $0x1714;
	(drf) =	sdiv.u32 s7, s30;
	s18 =	spop (drf);
	v7 =	vsel vm4, s17, v7  }
0x3f: {  	vm6 =	vcmask $0x1B18;
	v7 =	vsel vm5, s18, v7;
	s19 =	spop (drf)  }
0x40: {  	vm7 =	vcmask $0x1F1C;
	v7 =	vsel vm6, s19, v7;
	s20 =	spop (drf)  }
0x41: {  	vm8 =	vcmask $0x2320;
	v7 =	vsel vm7, s20, v7;
	s21 =	spop (drf)  }
0x42: {  	vm9 =	vcmask $0x2724;
	v7 =	vsel vm8, s21, v7;
	s22 =	spop (drf)  }
0x43: {  	vm10 =	vcmask $0x2B28;
	v7 =	vsel vm9, s22, v7;
	s23 =	spop (drf)  }
0x44: {  	vm11 =	vcmask $0x2F2C;
	v7 =	vsel vm10, s23, v7;
	s24 =	spop (drf)  }
0x45: {  	vm12 =	vcmask $0x3330;
	v8 =	vld.idx.msk [tilespmem:v2+s3+$0x0], $0xffff;
	v7 =	vsel vm11, s24, v7;
	s25 =	spop (drf)  }
0x46: {  	vm13 =	vcmask $0x3734;
	s5 =	sand.u32 $0xF, s5;
	v7 =	vsel vm12, s25, v7;
	s26 =	spop (drf)  }
0x47: {  	vm14 =	vcmask $0x3B38;
	v9 =	vmov s5;
	v7 =	vsel vm13, s26, v7;
	s28 =	spop (drf)  }
0x48: {  	vm15 =	veq.s32 v9, v4;
	v7 =	vsel vm14, s28, v7  }
0x49: {  	v6 =	vmul.u32 v6, v7  }
0x4a: {  	v5 =	vmul.u32 v8, v5;
	v7 =	vshll.u32 v7, $0x2  }
0x4b: {  	v6 =	vsub.s32 v7, v6  }
0x4c: {  	vm2 =	vmmov vm0;
	vm0 =	vgt.s32 v5, v0;
	v6 =	vadd.s32 v0, v6  }
0x4d: {  	s5 =	simm.s32 $0x80;
	v5 =	vnsel vm0, $0x10, v6  }
0x4e: {  	[tilespmem:v1+s5+$0x0] =	vst.idx.msk vm15, v5  }
0x4f: {  	v5 =	vld.msk [tilespmem:$0x80], $0x1;
	_ =	sdelay $0x4  }
0x50: {  	v6 =	vshrl.u32 v5, $0x3  }
0x51: {  	v6 =	vmul.u32 $0x50, v6  }
0x52: {  	v5 =	vand.u32 $0x7, v5  }
0x53: {  	s6 =	ssub.s32 $0x2, s6;
	v5 =	vor.u32 v5, v6  }
0x54: {  	v4 =	vmul.u32 $0x8, v4;
	s29 =	sshrl.u32 s6, $0x1;
	v5 =	vperm.xlane v5, v1  }
0x55: {  	s6 =	ssub.s32 s6, s29  }
0x56: {  	s31 =	smax.u32 s6, $0x1;
	v5 =	vadd.s32 v4, v5  }
0x57: {  	p0 =	sne.s32 s31, $0x1  }
.Ltmp0:
0x58: {  	_ = 	snop;
	(pc) =	sbr.rel @!p0 .LBB2_2-.Ltmp0, $4  }
0x59: {  	_ = 	snop  }
0x5a: {  	s30 =	rddreg [dreg:$0x3];
	s7 =	simm.s32 $0x1;
	s6 =	simm.s32 $0x100;
	vm0 =	vmmov $0x3ff  }
0x5b: {  	[tilespmem:s6], [sflag:$0x1] =	stream.indirect_vreg.gather [hbm4b:s30+s3], $0x80, v5, vm0, $0xb8;
	[tilespmem:$0x600] =	vst v63  }
0x5c: {  	s8 =	sadd.s32 $0xFFFFFFFF, s31;
	_ =	swait.ge [sflag:s7], $0x500  }
.LBB2_1:
0x5d: {  	s9 =	rddreg [dreg:$0x4];
	[sflag:s7] =	ssyncset.done $0x0  }
0x5e: {  	s10 =	rddreg [dreg:$0x5];
	(v2sf) =	vpush v0, $0xE;
	[sflag:s7] =	ssyncadd.s32 $0xFFFFFB00  }
0x5f: {  	(v2sf) =	vpush v0, $0xD;
	[hbm4b:s9+s5] =	stream.strided.scatter [tilespmem:s6], [sflag:$0x2], $0x500, s10, s5, $0x38;
	[tilespmem:$0x600] =	vst v63  }
0x60: {  	_ =	swait.ge [sflag:s4], $0x500  }
0x61: {  	(v2sf) =	vpush v0, $0xC;
	[sflag:s4] =	ssyncset.done $0x0  }
0x62: {  	(v2sf) =	vpush v0, $0xB;
	[sflag:s4] =	ssyncadd.s32 $0xFFFFFB00  }
0x63: {  	[tilespmem:s3], [sflag:$0x2] =	stream.linear.gather [hbm4b:s2+s3], $0x80, $0x38;
	(v2sf) =	vpush v0, $0xA;
	[tilespmem:$0x600] =	vst v63  }
0x64: {  	_ =	swait.ge [sflag:s4], $0x80  }
0x65: {  	(v2sf) =	vpush v0, $0x9  }
0x66: {  	(v2sf) =	vpush v0, $0x8  }
0x67: {  	[sflag:s4] =	ssyncset.done $0x0;
	(v2sf) =	vpush v0, $0x7  }
0x68: {  	[sflag:s4] =	ssyncadd.s32 $0xFFFFFF80;
	(v2sf) =	vpush v0, $0x6  }
0x69: {  	v5 =	vld.idx.msk [tilespmem:v3+s3+$0x0], $0xffff;
	(v2sf) =	vpush v0, $0x5  }
0x6a: {  	(v2sf) =	vpush v0, $0x4  }
0x6b: {  	(v2sf) =	vpush v0, $0x3  }
0x6c: {  	(v2sf) =	vpush v0, $0x2  }
0x6d: {  	(v2sf) =	vpush v0, $0x1  }
0x6e: {  	vm1 =	vgt.s32 v5, $0x1;
	(v2sf) =	vpush v0, $0x0  }
0x6f: {  	s9 =	spop (v2sf);
	v6 =	vnsel vm1, $0x1, v5;
	(v2sf) =	vpush v0, $0xF  }
0x70: {  	s10 =	spop (v2sf);
	(v2sf) =	vpush v6, $0x5  }
0x71: {  	s11 =	spop (v2sf);
	(v2sf) =	vpush v6, $0x4  }
0x72: {  	s12 =	spop (v2sf);
	(v2sf) =	vpush v6, $0x3  }
0x73: {  	s13 =	spop (v2sf);
	(v2sf) =	vpush v6, $0x2  }
0x74: {  	(v2sf) =	vpush v6, $0x1;
	s14 =	spop (v2sf)  }
0x75: {  	(v2sf) =	vpush v6, $0x0;
	s15 =	spop (v2sf)  }
0x76: {  	(v2sf) =	vpush v6, $0xF;
	s16 =	spop (v2sf)  }
0x77: {  	(v2sf) =	vpush v6, $0x6;
	s17 =	spop (v2sf)  }
0x78: {  	s18 =	spop (v2sf);
	(v2sf) =	vpush v6, $0x7  }
0x79: {  	s19 =	spop (v2sf);
	(v2sf) =	vpush v6, $0x8  }
0x7a: {  	s20 =	spop (v2sf);
	(v2sf) =	vpush v6, $0x9  }
0x7b: {  	s21 =	spop (v2sf);
	(v2sf) =	vpush v6, $0xA  }
0x7c: {  	s22 =	spop (v2sf);
	(v2sf) =	vpush v6, $0xB  }
0x7d: {  	s23 =	spop (v2sf);
	(v2sf) =	vpush v6, $0xC  }
0x7e: {  	s24 =	spop (v2sf);
	(v2sf) =	vpush v6, $0xD  }
0x7f: {  	s25 =	spop (v2sf);
	(v2sf) =	vpush v6, $0xE  }
0x80: {  	s26 =	spop (v2sf)  }
0x81: {  	s28 =	spop (v2sf)  }
0x82: {  	s29 =	spop (v2sf)  }
0x83: {  	s30 =	spop (v2sf)  }
0x84: {  	s31 =	spop (v2sf)  }
0x85: {  	s1 =	spop (v2sf)  }
0x86: {  	(drf) =	sdiv.u32 s24, s1;
	s1 =	spop (v2sf)  }
0x87: {  	(drf) =	sdiv.u32 s23, s31;
	s23 =	spop (v2sf)  }
0x88: {  	(drf) =	sdiv.u32 s22, s30;
	s30 =	spop (v2sf)  }
0x89: {  	(drf) =	sdiv.u32 s21, s29;
	s31 =	spop (v2sf)  }
0x8a: {  	(drf) =	sdiv.u32 s20, s28;
	s20 =	spop (v2sf)  }
0x8b: {  	(drf) =	sdiv.u32 s19, s26;
	s24 =	spop (v2sf)  }
0x8c: {  	(drf) =	sdiv.u32 s18, s25;
	s25 =	spop (v2sf)  }
0x8d: {  	(drf) =	sdiv.u32 s17, s1;
	s26 =	spop (v2sf)  }
0x8e: {  	(drf) =	sdiv.u32 s16, s23;
	s28 =	spop (v2sf)  }
0x8f: {  	s29 =	spop (drf);
	(drf) =	sdiv.u32 s15, s30  }
0x90: {  	vm1 =	vcmask $0x300;
	v7 =	vmov s29;
	s30 =	spop (drf);
	(drf) =	sdiv.u32 s14, s31  }
0x91: {  	v7 =	vsel vm1, s30, v7;
	s31 =	spop (drf);
	(drf) =	sdiv.u32 s13, s20;
	vm1 =	vcmask $0x704  }
0x92: {  	v7 =	vsel vm1, s31, v7;
	s15 =	spop (drf);
	(drf) =	sdiv.u32 s12, s24  }
0x93: {  	v7 =	vsel vm2, s15, v7;
	s17 =	spop (drf);
	(drf) =	sdiv.u32 s11, s25  }
0x94: {  	v7 =	vsel vm3, s17, v7;
	s19 =	spop (drf);
	(drf) =	sdiv.u32 s10, s26  }
0x95: {  	v7 =	vsel vm4, s19, v7;
	s20 =	spop (drf);
	(drf) =	sdiv.u32 s9, s28  }
0x96: {  	v7 =	vsel vm5, s20, v7;
	s21 =	spop (drf)  }
0x97: {  	v7 =	vsel vm6, s21, v7;
	s22 =	spop (drf)  }
0x98: {  	v7 =	vsel vm7, s22, v7;
	s23 =	spop (drf)  }
0x99: {  	v7 =	vsel vm8, s23, v7;
	s24 =	spop (drf)  }
0x9a: {  	v7 =	vsel vm9, s24, v7;
	s25 =	spop (drf)  }
0x9b: {  	v7 =	vsel vm10, s25, v7;
	s26 =	spop (drf)  }
0x9c: {  	v8 =	vld.idx.msk [tilespmem:v2+s3+$0x0], $0xffff;
	v7 =	vsel vm11, s26, v7;
	s28 =	spop (drf)  }
0x9d: {  	v7 =	vsel vm12, s28, v7;
	s29 =	spop (drf)  }
0x9e: {  	v7 =	vsel vm13, s29, v7;
	s30 =	spop (drf)  }
0x9f: {  	v7 =	vsel vm14, s30, v7  }
0xa0: {  	v6 =	vmul.u32 v6, v7  }
0xa1: {  	v5 =	vmul.u32 v8, v5;
	v7 =	vshll.u32 v7, $0x2  }
0xa2: {  	v6 =	vsub.s32 v7, v6  }
0xa3: {  	vm1 =	vgt.s32 v5, v0;
	v5 =	vadd.s32 v0, v6  }
0xa4: {  	v5 =	vnsel vm1, $0x10, v5  }
0xa5: {  	[tilespmem:v1+s5+$0x0] =	vst.idx.msk vm15, v5  }
0xa6: {  	v5 =	vld.msk [tilespmem:$0x80], $0x1;
	_ =	sdelay $0x4  }
0xa7: {  	v6 =	vshrl.u32 v5, $0x3  }
0xa8: {  	v6 =	vmul.u32 $0x50, v6  }
0xa9: {  	v5 =	vand.u32 $0x7, v5  }
0xaa: {  	v5 =	vor.u32 v5, v6  }
0xab: {  	v5 =	vperm.xlane v5, v1;
	_ =	sdelay $0x1  }
0xac: {  	v5 =	vadd.s32 v4, v5  }
0xad: {  	p0 =	sne.s32 s8, $0x1  }
.Ltmp1:
0xae: {  	_ = 	snop;
	(pc) =	sbr.rel @p0 .LBB2_1-.Ltmp1, $4  }
0xaf: {  	_ = 	snop  }
0xb0: {  	s31 =	rddreg [dreg:$0x3]  }
0xb1: {  	[tilespmem:s6], [sflag:$0x1] =	stream.indirect_vreg.gather [hbm4b:s31+s3], $0x80, v5, vm0, $0xb8;
	[tilespmem:$0x600] =	vst v63  }
0xb2: {  	s8 =	sadd.s32 $0xFFFFFFFF, s8;
	_ =	swait.ge [sflag:s7], $0x500  }
.LBB2_2:
0xb3: {  	s1 =	rddreg [dreg:$0x4];
	[sflag:s7] =	ssyncset.done $0x0  }
0xb4: {  	s2 =	rddreg [dreg:$0x5];
	[sflag:s7] =	ssyncadd.s32 $0xFFFFFB00  }
0xb5: {  	[hbm4b:s1+s5] =	stream.strided.scatter [tilespmem:s6], [sflag:$0x2], $0x500, s2, s5, $0x38;
	[tilespmem:$0x600] =	vst v63  }
0xb6: {  	_ =	swait.ge [sflag:s4], $0x500  }
0xb7: {  	[sflag:s4] =	ssyncset.done $0x0  }
0xb8: {  	[sflag:s4] =	ssyncadd.s32 $0xFFFFFB00  }
0xb9: {  	_ =	sfence.sel $0x180000  }
0xba: {  	[bflag:$0x0] =	sbarrier.arrive $0xFFFF  }
0xbb: {  	_ =	strace $0x90000047  }
0xbc: {  	[bflag:$0x2] =	sbarrier.arrive $0xFFFF  }
0xbd: {  	p0 =	sne.s32 s0, $0x0;
	s0 =	rddreg [dreg:$0x2]  }
0xbe: {  	s0 =	sadd.s32 @!p0 $0x100000, s0  }
0xbf: {  	[sflag:s0] =	ssyncadd.tile.s32 @!p0 $0x1;
	_ =	shalt  }
.Lfunc_end2:
_tile_overlayer_lowered:
.L_overlay_start_2:
0xc0: {  	(tag) =	ssettag $0x2  }
0xc1: {  	s0 =	rddreg [dreg:$0x0];
	s2 =	stileid.u32  }
0xc2: {  	s1 =	rddreg [dreg:$0x1];
	p0 =	sne.s32 s2, $0x0  }
0xc3: {  	s3 =	rddreg [dreg:$0x2];
	[bflag:$0x3] =	sbarrier.arrive $0xFFFF;
	s2 =	simm.s32 @!p0 $0x1C02  }
0xc4: {  	[timem:s3], [sflag:s2] =	dma.local @!p0 [hbm:s0], s1  }
0xc5: {  	s0 =	simm.s32 @!p0 $0x2  }
0xc6: {  	_ =	swait.ge @!p0 [sflag:s0], s1  }
0xc7: {  	s1 =	ssub.s32 @!p0 $0x0, s1;
	[sflag:s0] =	ssyncset.done @!p0 $0x0  }
0xc8: {  	[sflag:s0] =	ssyncadd.s32 @!p0 s1  }
0xc9: {  	[bflag:$0x3] =	sbarrier.arrive $0xFFFF  }
0xca: {  	_ =	shalt  }

</sc_bundles>
